<compile_context>
chip_gen: v7x
topology: tpu7x:2x2x1
jax: 0.10.2.dev20260603
libtpu: 0.0.44.dev20260713+nightly
codegen_flags: <defaults>
</compile_context>

<pallas_src>
import jax
import jax.numpy as jnp
from jax.experimental import pallas as pl
from jax.experimental.pallas import tpu as pltpu
from jax.experimental.pallas import tpu_sc as plsc

E = 8
K = 2
S = 2048
H = 768
I = 3072
C = 768
EC = E * C
XG_ROWS = EC + 8
IBLK = 1536
NI = I // IBLK
TS = 256

NP = 2
WP = H // NP
NIDX = K * NP * S
IW = 128

_HIGH = jax.lax.Precision.HIGHEST


def _router_body(x_ref, wr_ref, wc_ref, bc_ref,
                 slots_ref, w_ref, xp_ref, lbl_ref, z_ref, div_ref, cap_ref):
    x = x_ref[...]
    xp_ref[0] = x[:, :WP]
    xp_ref[1] = x[:, WP:]
    logits = jax.lax.dot_general(x, wr_ref[...], (((1,), (1,)), ((), ())))
    m = jnp.max(logits, axis=1, keepdims=True)
    ex = jnp.exp(logits - m)
    probs = ex / jnp.sum(ex, axis=1, keepdims=True)
    cap = jax.nn.sigmoid(
        jnp.sum(x * wc_ref[...], axis=1, keepdims=True) + bc_ref[0])

    idx = jax.lax.broadcasted_iota(jnp.int32, (S, E), 1)
    m1 = jnp.max(probs, axis=1, keepdims=True)
    i1 = jnp.min(jnp.where(probs == m1, idx, E), axis=1, keepdims=True)
    one1 = idx == i1
    masked = jnp.where(one1, -jnp.inf, probs)
    m2 = jnp.max(masked, axis=1, keepdims=True)
    i2 = jnp.min(jnp.where(masked == m2, idx, E), axis=1, keepdims=True)
    one2 = idx == i2

    t = jnp.exp(m2 - m1)
    w1 = cap / (1.0 + t)
    w2 = cap * t / (1.0 + t)

    cnt = one1.astype(jnp.float32) + one2.astype(jnp.float32)
    ir = jax.lax.broadcasted_iota(jnp.int32, (S, S), 0)
    ic = jax.lax.broadcasted_iota(jnp.int32, (S, S), 1)
    tri = (ir > ic).astype(jnp.float32)
    r_excl = jax.lax.dot_general(tri, cnt, (((1,), (0,)), ((), ())))
    r1 = jnp.sum(jnp.where(one1, r_excl, 0.0), axis=1, keepdims=True)
    r2 = jnp.sum(jnp.where(one2, r_excl, 0.0), axis=1, keepdims=True)
    r1 = r1.astype(jnp.int32)
    r2 = r2.astype(jnp.int32)
    ok1 = r1 < C
    ok2 = r2 < C
    s1 = jnp.where(ok1, i1 * C + r1, EC)
    s2 = jnp.where(ok2, i2 * C + r2, EC)
    w1 = jnp.where(ok1, w1, 0.0)
    w2 = jnp.where(ok2, w2, 0.0)

    slots_ref[...] = jnp.concatenate([s1, s2], axis=1)
    w_ref[...] = jnp.concatenate([w1, w2], axis=1)

    counts = jnp.sum(cnt, axis=0, keepdims=True)
    mean_load = float(S * K) / E
    lbl_ref[...] = (jnp.sum((counts - mean_load) ** 2, axis=1, keepdims=True)
                    / float(E - 1) / (mean_load * mean_load))
    z_ref[...] = jnp.mean(
        jnp.log(jnp.sum(jnp.exp(probs), axis=1, keepdims=True)),
        keepdims=True)
    ep = jnp.mean(probs, axis=0, keepdims=True)
    div_ref[...] = -jnp.sum(ep * jnp.log(ep + 1e-8), axis=1, keepdims=True)
    cap_ref[...] = (jnp.mean(cap, keepdims=True) - 0.6) ** 2


def _run_router(xf, Wr, Wc, bc):
    scalar = jax.ShapeDtypeStruct((1, 1), jnp.float32)
    return pl.pallas_call(
        _router_body,
        in_specs=[
            pl.BlockSpec((S, H), lambda: (0, 0)),
            pl.BlockSpec((E, H), lambda: (0, 0)),
            pl.BlockSpec((1, H), lambda: (0, 0)),
            pl.BlockSpec(memory_space=pltpu.SMEM),
        ],
        out_shape=[
            jax.ShapeDtypeStruct((S, 2), jnp.int32),
            jax.ShapeDtypeStruct((S, 2), jnp.float32),
            jax.ShapeDtypeStruct((NP, S, WP), jnp.float32),
            scalar, scalar, scalar, scalar,
        ],
    )(xf, Wr, Wc, bc)


def _ffn_body(xg_ref, wg_ref, wu_ref, wd_ref, yg_ref):
    x0 = xg_ref[0]
    x1 = xg_ref[1]
    wg = wg_ref[0]
    wu = wu_ref[0]
    wd = wd_ref[0]
    dims = (((1,), (1,)), ((), ()))
    g = (jax.lax.dot_general(x0, wg[:, :WP], dims,
                             preferred_element_type=jnp.float32)
         + jax.lax.dot_general(x1, wg[:, WP:], dims,
                               preferred_element_type=jnp.float32))
    u = (jax.lax.dot_general(x0, wu[:, :WP], dims,
                             preferred_element_type=jnp.float32)
         + jax.lax.dot_general(x1, wu[:, WP:], dims,
                               preferred_element_type=jnp.float32))
    h = g * jax.nn.sigmoid(g) * u
    part = jax.lax.dot_general(h, wd, dims,
                               preferred_element_type=jnp.float32)

    @pl.when(pl.program_id(1) == 0)
    def _init():
        yg_ref[0] = part[:, :WP]
        yg_ref[1] = part[:, WP:]

    @pl.when(pl.program_id(1) != 0)
    def _acc():
        yg_ref[0] += part[:, :WP]
        yg_ref[1] += part[:, WP:]


def _run_ffn(xg_p, Wg, Wu, Wd):
    return pl.pallas_call(
        _ffn_body,
        grid=(E, NI),
        in_specs=[
            pl.BlockSpec((NP, C, WP), lambda e, i: (0, e, 0)),
            pl.BlockSpec((1, IBLK, H), lambda e, i: (e, i, 0)),
            pl.BlockSpec((1, IBLK, H), lambda e, i: (e, i, 0)),
            pl.BlockSpec((1, H, IBLK), lambda e, i: (e, 0, i)),
        ],
        out_specs=pl.BlockSpec((NP, C, WP), lambda e, i: (0, e, 0)),
        out_shape=jax.ShapeDtypeStruct((NP, XG_ROWS, WP), jnp.float32),
    )(xg_p, Wg, Wu, Wd)


def _vec_mesh():
    return plsc.VectorSubcoreMesh(core_axis_name="core",
                                  subcore_axis_name="subcore")


@jax.jit
def _sc_dispatch(x_p, sp):
    @pl.kernel(out_type=jax.ShapeDtypeStruct((NP * XG_ROWS, WP), jnp.float32),
               mesh=_vec_mesh())
    def k(x_hbm, s_hbm, o_hbm):
        def body(x_vmem, s_vmem):
            pltpu.sync_copy(x_vmem, o_hbm.at[s_vmem.at[0]])

        nxb = NP * S // IW
        pltpu.emit_pipeline(
            body,
            grid=(NIDX // IW,),
            in_specs=[
                pl.BlockSpec((IW, WP), index_map=lambda i: (i % nxb, 0)),
                pl.BlockSpec((1, IW), index_map=lambda i: (0, i)),
            ],
            out_specs=[],
            core_axis_name=("core", "subcore"),
            dimension_semantics=(pltpu.PARALLEL,),
        )(x_hbm, s_hbm)

    return k(x_p, sp)


@jax.jit
def _sc_gather(yg_p, sp):
    @pl.kernel(out_type=jax.ShapeDtypeStruct((NIDX, WP), jnp.float32),
               mesh=_vec_mesh())
    def k(y_hbm, s_hbm, o_hbm):
        def body(s_vmem, o_vmem):
            pltpu.sync_copy(y_hbm.at[s_vmem.at[0]], o_vmem)

        pltpu.emit_pipeline(
            body,
            grid=(NIDX // IW,),
            in_specs=[pl.BlockSpec((1, IW), index_map=lambda i: (0, i))],
            out_specs=[pl.BlockSpec((IW, WP), index_map=lambda i: (i, 0))],
            core_axis_name=("core", "subcore"),
            dimension_semantics=(pltpu.PARALLEL,),
        )(s_hbm, o_hbm)

    return k(yg_p, sp)


def _combine_body(g1_ref, g2_ref, w_ref, o_ref):
    w = w_ref[...]
    w1 = w[:, 0:1]
    w2 = w[:, 1:2]
    o_ref[...] = jnp.concatenate(
        [w1 * g1_ref[0, 0] + w2 * g2_ref[0, 0],
         w1 * g1_ref[0, 1] + w2 * g2_ref[0, 1]], axis=1)


def _run_combine(gath4, wts):
    return pl.pallas_call(
        _combine_body,
        grid=(S // TS,),
        in_specs=[
            pl.BlockSpec((1, NP, TS, WP), lambda i: (0, 0, i, 0)),
            pl.BlockSpec((1, NP, TS, WP), lambda i: (1, 0, i, 0)),
            pl.BlockSpec((TS, 2), lambda i: (i, 0)),
        ],
        out_specs=pl.BlockSpec((TS, H), lambda i: (i, 0)),
        out_shape=jax.ShapeDtypeStruct((S, H), jnp.float32),
    )(gath4, gath4, wts)


def kernel(x, Wr, Wc, bc, Wg, Wu, Wd):
    B_, S_, H_ = x.shape
    xf = x.reshape(S, H)
    slots, wts, x_p, lbl, z, div, closs = _run_router(xf, Wr, Wc, bc)
    plane_off = jnp.arange(NP, dtype=jnp.int32)[None, :, None] * XG_ROWS
    s_kt = jnp.transpose(slots)
    sp = (plane_off + s_kt[:, None, :]).reshape(1, NIDX)
    xg_p = _sc_dispatch(x_p.reshape(NP * S, WP), sp)
    yg_p = _run_ffn(xg_p.reshape(NP, XG_ROWS, WP), Wg, Wu, Wd)
    gath = _sc_gather(yg_p.reshape(NP * XG_ROWS, WP), sp)
    out = _run_combine(gath.reshape(K, NP, S, WP), wts)
    return (out.reshape(B_, S_, H_),
            lbl.reshape(()), z.reshape(()), div.reshape(()), closs.reshape(()))

# --- scband reference (transcript-rebuilt; emitter-appended) ---
"""Pipeline reference for scband-mixture-of-experts-57045755625494 (READ-ONLY COPY).

The authoritative reference and input builder live on the scoring server;
editing this copy changes nothing except your own understanding.
"""

import jax, jax.numpy as jnp
import numpy as np

E = 8
K = 2
B = 1
S = 2048
H = 768
I = 3072


def setup_inputs(seed: int = 0) -> dict:
    key = jax.random.key(seed)
    ks = jax.random.split(key, 6)
    sc = 0.02
    x = jax.random.normal(ks[0], (B, S, H), dtype=jnp.float32)
    Wr = jax.random.normal(ks[1], (E, H), dtype=jnp.float32) * sc
    Wc = jax.random.normal(ks[2], (1, H), dtype=jnp.float32) * sc
    bc = jnp.zeros((1,), dtype=jnp.float32)
    Wg = jax.random.normal(ks[3], (E, I, H), dtype=jnp.float32) * sc
    Wu = jax.random.normal(ks[4], (E, I, H), dtype=jnp.float32) * sc
    Wd = jax.random.normal(ks[5], (E, H, I), dtype=jnp.float32) * sc
    return {"x": x, "Wr": Wr, "Wc": Wc, "bc": bc, "Wg": Wg, "Wu": Wu, "Wd": Wd}


def reference(x, Wr, Wc, bc, Wg, Wu, Wd):
    B_, S_, H_ = x.shape
    # AdvancedRouter
    router_logits = x @ Wr.T                     # [B,S,E]
    router_probs = jax.nn.softmax(router_logits, axis=-1)
    dynamic_capacity = jax.nn.sigmoid(x @ Wc.T + bc)  # [B,S,1]
    # top-k routing
    top_k_probs, top_k_indices = jax.lax.top_k(router_probs, K)  # [B,S,K]
    top_k_probs = jax.nn.softmax(top_k_probs, axis=-1)
    # dynamic capacity scaling (broadcast [B,S,1] over K)
    top_k_probs = top_k_probs * dynamic_capacity
    flat_x = x.reshape(-1, H_)
    flat_idx = top_k_indices.reshape(-1, K)
    flat_p = top_k_probs.reshape(-1, K)
    flat_out = jnp.zeros_like(flat_x)
    for e in range(E):
        # per-token combine weight for expert e (zero for unrouted tokens,
        # mathematically identical to torch's masked-token dispatch)
        w = jnp.sum(jnp.where(flat_idx == e, flat_p, 0.0), axis=1, keepdims=True)
        g = flat_x @ Wg[e].T
        u = flat_x @ Wu[e].T
        y = (jax.nn.silu(g) * u) @ Wd[e].T
        flat_out = flat_out + y * w
    output = flat_out.reshape(B_, S_, H_)
    # auxiliary losses
    counts = jnp.bincount(flat_idx.reshape(-1), length=E).astype(jnp.float32)
    total_tokens = flat_idx.size
    load_balance_loss = jnp.var(counts, ddof=1) / (total_tokens / E) ** 2
    router_z_loss = jax.nn.logsumexp(router_probs, axis=-1).mean()
    expert_probs = router_probs.mean(axis=(0, 1))
    diversity_loss = -jnp.sum(expert_probs * jnp.log(expert_probs + 1e-08))
    capacity_loss = (dynamic_capacity.mean() - 0.6) ** 2
    return (output, load_balance_loss, router_z_loss, diversity_loss, capacity_loss)

if __name__ == "__main__":
    import jax
    _d = setup_inputs()
    print(jax.jit(kernel)(*tuple(_d.values())))

</pallas_src>

<mosaic_0001>
#map = affine_map<(d0, d1) -> (0, 0)>
module attributes {stable_mosaic.version = 14 : i64} {
  func.func @k(%arg0: i32, %arg1: i32, %arg2: memref<4096x384xf32, #tpu.memory_space<hbm>>, %arg3: memref<1x8192xi32, #tpu.memory_space<hbm>>, %arg4: memref<12304x384xf32, #tpu.memory_space<hbm>>) attributes {dimension_semantics = [#tpu.dimension_semantics<core_parallel>, #tpu.dimension_semantics<subcore_parallel>], iteration_bounds = array<i64: 2, 16>, scalar_prefetch = 0 : i64, scratch_operands = 0 : i64, tpu.core_type = #tpu.core_type<sc_vector_subcore>, window_params = [{transform_indices = #map}, {transform_indices = #map}, {transform_indices = #map}]} {
    %mul3A = arith.constant 1 : i32
    %mul3A_0 = arith.muli %arg1, %mul3A : i32
    %add3A = arith.constant 0 : i32
    %add3A_1 = arith.addi %add3A, %mul3A_0 : i32
    %mul3A_2 = arith.constant 16 : i32
    %mul3A_3 = arith.muli %arg0, %mul3A_2 : i32
    %add3A_4 = arith.addi %add3A_1, %mul3A_3 : i32
    %mul3A_5 = arith.constant 2 : i32
    %mul3A_6 = arith.muli %add3A_4, %mul3A_5 : i32
    "tpu.region"() ({
      %run_scoped3A = memref.alloca() : memref<2x128x384xf32, #tpu.memory_space<vmem>>
      %run_scoped3A_7 = tpu.sem_alloc : memref<2x!tpu.dma_semaphore, #tpu.memory_space<semaphore_mem>>
      %run_scoped3A_8 = memref.alloca() : memref<2x1x128xi32, #tpu.memory_space<vmem>>
      %run_scoped3A_9 = tpu.sem_alloc : memref<2x!tpu.dma_semaphore, #tpu.memory_space<semaphore_mem>>
      %add3A_10 = arith.constant 0 : i32
      %add3A_11 = arith.addi %add3A_10, %mul3A_6 : i32
      %select_n3A = arith.constant true
      %select_n3A_12 = arith.constant 0 : i32
      %select_n3A_13 = arith.constant -1 : i32
      %select_n3A_14 = arith.select %select_n3A, %select_n3A_13, %select_n3A_12 : i32
      %eq3A = arith.constant -1 : i32
      %eq3A_15 = arith.cmpi eq, %select_n3A_14, %eq3A : i32
      %select_n3A_16 = arith.constant 1 : i32
      %select_n3A_17 = arith.select %eq3A_15, %select_n3A_16, %select_n3A_14 : i32
      %add3A_18 = arith.addi %select_n3A_17, %mul3A_6 : i32
      %select_n3A_19 = arith.constant true
      %select_n3A_20 = arith.constant 0 : i32
      %select_n3A_21 = arith.constant 1 : i32
      %select_n3A_22 = arith.select %select_n3A_19, %select_n3A_21, %select_n3A_20 : i32
      %eq3A_23 = arith.constant 2 : i32
      %eq3A_24 = arith.cmpi eq, %select_n3A_22, %eq3A_23 : i32
      %select_n3A_25 = arith.constant 0 : i32
      %select_n3A_26 = arith.select %eq3A_24, %select_n3A_25, %select_n3A_22 : i32
      %add3A_27 = arith.addi %select_n3A_26, %mul3A_6 : i32
      %add3A_28 = arith.constant 1 : i32
      %add3A_29 = arith.addi %select_n3A_26, %add3A_28 : i32
      %select_n3A_30 = arith.constant true
      %select_n3A_31 = arith.select %select_n3A_30, %add3A_29, %select_n3A_26 : i32
      %eq3A_32 = arith.constant 2 : i32
      %eq3A_33 = arith.cmpi eq, %select_n3A_31, %eq3A_32 : i32
      %select_n3A_34 = arith.constant 0 : i32
      %select_n3A_35 = arith.select %eq3A_33, %select_n3A_34, %select_n3A_31 : i32
      %add3A_36 = arith.addi %select_n3A_35, %mul3A_6 : i32
      "tpu.trace_start"() <{level = 10 : i32, message = "ep_initialize_0"}> : () -> ()
      %rem3A = arith.constant 0 : i32
      %rem3A_37 = arith.constant 2 : i32
      %rem3A_38 = arith.remui %rem3A, %rem3A_37 : i32
      %jit3A = arith.constant 32 : i32
      %eq3A_39 = arith.constant 0 : i32
      %eq3A_40 = arith.cmpi eq, %jit3A, %eq3A_39 : i32
      %jit3A_41 = arith.constant 1 : i32
      %select_n3A_42 = arith.select %eq3A_40, %jit3A_41, %jit3A : i32
      %rem3A_43 = arith.remsi %add3A_11, %select_n3A_42 : i32
      %ne3A = arith.constant 0 : i32
      %ne3A_44 = arith.cmpi ne, %rem3A_43, %ne3A : i32
      %lt3A = arith.constant 0 : i32
      %lt3A_45 = arith.cmpi slt, %rem3A_43, %lt3A : i32
      %lt3A_46 = arith.constant 0 : i32
      %lt3A_47 = arith.cmpi slt, %select_n3A_42, %lt3A_46 : i32
      %ne3A_48 = arith.xori %lt3A_45, %lt3A_47 : i1
      %and3A = arith.andi %ne3A_48, %ne3A_44 : i1
      %add3A_49 = arith.addi %rem3A_43, %select_n3A_42 : i32
      %select_n3A_50 = arith.select %and3A, %add3A_49, %rem3A_43 : i32
      %mul3A_51 = arith.constant 128 : i32
      %mul3A_52 = arith.muli %mul3A_51, %select_n3A_50 : i32
      %dma_start3A = arith.constant 0 : i32
      %dma_start3A_53 = arith.constant 0 : i32
      %dma_start3A_54 = tpu.memref_slice %run_scoped3A[%rem3A_38, %dma_start3A, %dma_start3A_53] : memref<2x128x384xf32, #tpu.memory_space<vmem>> -> memref<1x128x384xf32, #tpu.memory_space<vmem>>
      %dma_start3A_55 = tpu.memref_squeeze %dma_start3A_54 : memref<1x128x384xf32, #tpu.memory_space<vmem>> -> memref<128x384xf32, #tpu.memory_space<vmem>>
      %dma_start3A_56 = arith.constant 0 : i32
      %dma_start3A_57 = tpu.memref_slice %arg2[%mul3A_52, %dma_start3A_56] : memref<4096x384xf32, #tpu.memory_space<hbm>> -> memref<128x384xf32, #tpu.memory_space<hbm>>
      %dma_start3A_58 = tpu.memref_slice %run_scoped3A_7[%rem3A_38] : memref<2x!tpu.dma_semaphore, #tpu.memory_space<semaphore_mem>> -> memref<1x!tpu.dma_semaphore, #tpu.memory_space<semaphore_mem>>
      %dma_start3A_59 = tpu.memref_squeeze %dma_start3A_58 : memref<1x!tpu.dma_semaphore, #tpu.memory_space<semaphore_mem>> -> memref<!tpu.dma_semaphore, #tpu.memory_space<semaphore_mem>>
      %dma_start3A_60 = arith.constant 0 : i32
      %dma_start3A_61 = arith.constant 0 : i32
      %dma_start3A_62 = tpu.memref_slice %run_scoped3A[%rem3A_38, %dma_start3A_60, %dma_start3A_61] : memref<2x128x384xf32, #tpu.memory_space<vmem>> -> memref<1x128x384xf32, #tpu.memory_space<vmem>>
      %dma_start3A_63 = tpu.memref_squeeze %dma_start3A_62 : memref<1x128x384xf32, #tpu.memory_space<vmem>> -> memref<128x384xf32, #tpu.memory_space<vmem>>
      %dma_start3A_64 = arith.constant 0 : i32
      %dma_start3A_65 = tpu.memref_slice %arg2[%mul3A_52, %dma_start3A_64] : memref<4096x384xf32, #tpu.memory_space<hbm>> -> memref<128x384xf32, #tpu.memory_space<hbm>>
      tpu.enqueue_dma source(%dma_start3A_65 : memref<128x384xf32, #tpu.memory_space<hbm>>) target(%dma_start3A_63 : memref<128x384xf32, #tpu.memory_space<vmem>>) target_semaphore(%dma_start3A_59 : memref<!tpu.dma_semaphore, #tpu.memory_space<semaphore_mem>>)
      %add3A_66 = arith.constant 0 : i32
      %add3A_67 = arith.constant 1 : i32
      %add3A_68 = arith.addi %add3A_66, %add3A_67 : i32
      %select_n3A_69 = arith.constant true
      %select_n3A_70 = arith.constant 0 : i32
      %select_n3A_71 = arith.select %select_n3A_69, %add3A_68, %select_n3A_70 : i32
      %rem3A_72 = arith.constant 0 : i32
      %rem3A_73 = arith.constant 2 : i32
      %rem3A_74 = arith.remui %rem3A_72, %rem3A_73 : i32
      %mul3A_75 = arith.constant 128 : i32
      %mul3A_76 = arith.muli %mul3A_75, %add3A_11 : i32
      %dma_start3A_77 = arith.constant 0 : i32
      %dma_start3A_78 = arith.constant 0 : i32
      %dma_start3A_79 = tpu.memref_slice %run_scoped3A_8[%rem3A_74, %dma_start3A_77, %dma_start3A_78] : memref<2x1x128xi32, #tpu.memory_space<vmem>> -> memref<1x1x128xi32, #tpu.memory_space<vmem>>
      %dma_start3A_80 = tpu.memref_squeeze %dma_start3A_79 : memref<1x1x128xi32, #tpu.memory_space<vmem>> -> memref<1x128xi32, #tpu.memory_space<vmem>>
      %dma_start3A_81 = arith.constant 0 : i32
      %dma_start3A_82 = tpu.memref_slice %arg3[%dma_start3A_81, %mul3A_76] : memref<1x8192xi32, #tpu.memory_space<hbm>> -> memref<1x128xi32, #tpu.memory_space<hbm>>
      %dma_start3A_83 = tpu.memref_slice %run_scoped3A_9[%rem3A_74] : memref<2x!tpu.dma_semaphore, #tpu.memory_space<semaphore_mem>> -> memref<1x!tpu.dma_semaphore, #tpu.memory_space<semaphore_mem>>
      %dma_start3A_84 = tpu.memref_squeeze %dma_start3A_83 : memref<1x!tpu.dma_semaphore, #tpu.memory_space<semaphore_mem>> -> memref<!tpu.dma_semaphore, #tpu.memory_space<semaphore_mem>>
      %dma_start3A_85 = arith.constant 0 : i32
      %dma_start3A_86 = arith.constant 0 : i32
      %dma_start3A_87 = tpu.memref_slice %run_scoped3A_8[%rem3A_74, %dma_start3A_85, %dma_start3A_86] : memref<2x1x128xi32, #tpu.memory_space<vmem>> -> memref<1x1x128xi32, #tpu.memory_space<vmem>>
      %dma_start3A_88 = tpu.memref_squeeze %dma_start3A_87 : memref<1x1x128xi32, #tpu.memory_space<vmem>> -> memref<1x128xi32, #tpu.memory_space<vmem>>
      %dma_start3A_89 = arith.constant 0 : i32
      %dma_start3A_90 = tpu.memref_slice %arg3[%dma_start3A_89, %mul3A_76] : memref<1x8192xi32, #tpu.memory_space<hbm>> -> memref<1x128xi32, #tpu.memory_space<hbm>>
      tpu.enqueue_dma source(%dma_start3A_90 : memref<1x128xi32, #tpu.memory_space<hbm>>) target(%dma_start3A_88 : memref<1x128xi32, #tpu.memory_space<vmem>>) target_semaphore(%dma_start3A_84 : memref<!tpu.dma_semaphore, #tpu.memory_space<semaphore_mem>>)
      %add3A_91 = arith.constant 0 : i32
      %add3A_92 = arith.constant 1 : i32
      %add3A_93 = arith.addi %add3A_91, %add3A_92 : i32
      %select_n3A_94 = arith.constant true
      %select_n3A_95 = arith.constant 0 : i32
      %select_n3A_96 = arith.select %select_n3A_94, %add3A_93, %select_n3A_95 : i32
      "tpu.trace_stop"() : () -> ()
      %scan3A = arith.constant 0 : i32
      %scan3A_97 = arith.constant 0 : i32
      %scan3A_98 = arith.constant 0 : i32
      %scan3A_99 = arith.constant 0 : i32
      %scan3A_100 = arith.constant 2 : i32
      %scan3A_101 = arith.addi %scan3A_99, %scan3A_100 : i32
      %scan3A_102 = arith.constant 1 : i32
      %scan3A_103:5 = scf.for %scan3A_140 = %scan3A_99 to %scan3A_101 step %scan3A_102 iter_args(%scan3A_141 = %select_n3A_71, %scan3A_142 = %scan3A, %scan3A_143 = %select_n3A_96, %scan3A_144 = %scan3A_97, %scan3A_145 = %scan3A_98) -> (i32, i32, i32, i32, i32)  : i32 {
        %eq3A_146 = arith.constant 0 : i32
        %eq3A_147 = arith.cmpi eq, %scan3A_140, %eq3A_146 : i32
        %eq3A_148 = arith.constant 1 : i32
        %eq3A_149 = arith.cmpi eq, %scan3A_140, %eq3A_148 : i32
        %add3A_150 = arith.addi %scan3A_145, %mul3A_6 : i32
        %sub3A_151 = arith.constant 1 : i32
        %sub3A_152 = arith.subi %scan3A_145, %sub3A_151 : i32
        %select_n3A_153 = arith.constant true
        %select_n3A_154 = arith.select %select_n3A_153, %sub3A_152, %scan3A_145 : i32
        %eq3A_155 = arith.constant -1 : i32
        %eq3A_156 = arith.cmpi eq, %select_n3A_154, %eq3A_155 : i32
        %select_n3A_157 = arith.constant 1 : i32
        %select_n3A_158 = arith.select %eq3A_156, %select_n3A_157, %select_n3A_154 : i32
        %add3A_159 = arith.addi %select_n3A_158, %mul3A_6 : i32
        %add3A_160 = arith.constant 1 : i32
        %add3A_161 = arith.addi %scan3A_145, %add3A_160 : i32
        %select_n3A_162 = arith.constant true
        %select_n3A_163 = arith.select %select_n3A_162, %add3A_161, %scan3A_145 : i32
        %eq3A_164 = arith.constant 2 : i32
        %eq3A_165 = arith.cmpi eq, %select_n3A_163, %eq3A_164 : i32
        %select_n3A_166 = arith.constant 0 : i32
        %select_n3A_167 = arith.select %eq3A_165, %select_n3A_166, %select_n3A_163 : i32
        %add3A_168 = arith.addi %select_n3A_167, %mul3A_6 : i32
        %add3A_169 = arith.constant 1 : i32
        %add3A_170 = arith.addi %select_n3A_167, %add3A_169 : i32
        %select_n3A_171 = arith.constant true
        %select_n3A_172 = arith.select %select_n3A_171, %add3A_170, %select_n3A_167 : i32
        %eq3A_173 = arith.constant 2 : i32
        %eq3A_174 = arith.cmpi eq, %select_n3A_172, %eq3A_173 : i32
        %select_n3A_175 = arith.constant 0 : i32
        %select_n3A_176 = arith.select %eq3A_174, %select_n3A_175, %select_n3A_172 : i32
        %add3A_177 = arith.addi %select_n3A_176, %mul3A_6 : i32
        %jit3A_178 = arith.constant 32 : i32
        %eq3A_179 = arith.constant 0 : i32
        %eq3A_180 = arith.cmpi eq, %jit3A_178, %eq3A_179 : i32
        %jit3A_181 = arith.constant 1 : i32
        %select_n3A_182 = arith.select %eq3A_180, %jit3A_181, %jit3A_178 : i32
        %rem3A_183 = arith.remsi %add3A_150, %select_n3A_182 : i32
        %ne3A_184 = arith.constant 0 : i32
        %ne3A_185 = arith.cmpi ne, %rem3A_183, %ne3A_184 : i32
        %lt3A_186 = arith.constant 0 : i32
        %lt3A_187 = arith.cmpi slt, %rem3A_183, %lt3A_186 : i32
        %lt3A_188 = arith.constant 0 : i32
        %lt3A_189 = arith.cmpi slt, %select_n3A_182, %lt3A_188 : i32
        %ne3A_190 = arith.xori %lt3A_187, %lt3A_189 : i1
        %and3A_191 = arith.andi %ne3A_190, %ne3A_185 : i1
        %add3A_192 = arith.addi %rem3A_183, %select_n3A_182 : i32
        %select_n3A_193 = arith.select %and3A_191, %add3A_192, %rem3A_183 : i32
        %jit3A_194 = arith.constant 32 : i32
        %eq3A_195 = arith.constant 0 : i32
        %eq3A_196 = arith.cmpi eq, %jit3A_194, %eq3A_195 : i32
        %jit3A_197 = arith.constant 1 : i32
        %select_n3A_198 = arith.select %eq3A_196, %jit3A_197, %jit3A_194 : i32
        %rem3A_199 = arith.remsi %add3A_168, %select_n3A_198 : i32
        %ne3A_200 = arith.constant 0 : i32
        %ne3A_201 = arith.cmpi ne, %rem3A_199, %ne3A_200 : i32
        %lt3A_202 = arith.constant 0 : i32
        %lt3A_203 = arith.cmpi slt, %rem3A_199, %lt3A_202 : i32
        %lt3A_204 = arith.constant 0 : i32
        %lt3A_205 = arith.cmpi slt, %select_n3A_198, %lt3A_204 : i32
        %ne3A_206 = arith.xori %lt3A_203, %lt3A_205 : i1
        %and3A_207 = arith.andi %ne3A_206, %ne3A_201 : i1
        %add3A_208 = arith.addi %rem3A_199, %select_n3A_198 : i32
        %select_n3A_209 = arith.select %and3A_207, %add3A_208, %rem3A_199 : i32
        %ne3A_210 = arith.cmpi ne, %select_n3A_193, %select_n3A_209 : i32
        %or3A = arith.constant false
        %or3A_211 = arith.ori %or3A, %ne3A_210 : i1
        %or3A_212 = arith.constant false
        %or3A_213 = arith.ori %or3A_211, %or3A_212 : i1
        %ge3A = arith.constant 1 : i32
        %ge3A_214 = arith.cmpi sge, %scan3A_140, %ge3A : i32
        %not3A = arith.constant true
        %not3A_215 = arith.xori %ge3A_214, %not3A : i1
        %and3A_216 = arith.andi %or3A_213, %not3A_215 : i1
        %convert_element_type3A = arith.extui %and3A_216 : i1 to i32
        %cond3A = arith.constant 0 : i32
        %cond3A_217 = arith.cmpi ne, %convert_element_type3A, %cond3A : i32
        scf.if %cond3A_217 {
          "tpu.trace_start"() <{level = 10 : i32, message = "ep_copy_in"}> : () -> ()
          %rem3A_456 = arith.constant 2 : i32
          %rem3A_457 = arith.remui %scan3A_141, %rem3A_456 : i32
          %jit3A_458 = arith.constant 32 : i32
          %eq3A_459 = arith.constant 0 : i32
          %eq3A_460 = arith.cmpi eq, %jit3A_458, %eq3A_459 : i32
          %jit3A_461 = arith.constant 1 : i32
          %select_n3A_462 = arith.select %eq3A_460, %jit3A_461, %jit3A_458 : i32
          %rem3A_463 = arith.remsi %add3A_168, %select_n3A_462 : i32
          %ne3A_464 = arith.constant 0 : i32
          %ne3A_465 = arith.cmpi ne, %rem3A_463, %ne3A_464 : i32
          %lt3A_466 = arith.constant 0 : i32
          %lt3A_467 = arith.cmpi slt, %rem3A_463, %lt3A_466 : i32
          %lt3A_468 = arith.constant 0 : i32
          %lt3A_469 = arith.cmpi slt, %select_n3A_462, %lt3A_468 : i32
          %ne3A_470 = arith.xori %lt3A_467, %lt3A_469 : i1
          %and3A_471 = arith.andi %ne3A_470, %ne3A_465 : i1
          %add3A_472 = arith.addi %rem3A_463, %select_n3A_462 : i32
          %select_n3A_473 = arith.select %and3A_471, %add3A_472, %rem3A_463 : i32
          %mul3A_474 = arith.constant 128 : i32
          %mul3A_475 = arith.muli %mul3A_474, %select_n3A_473 : i32
          %dma_start3A_476 = arith.constant 0 : i32
          %dma_start3A_477 = arith.constant 0 : i32
          %dma_start3A_478 = tpu.memref_slice %run_scoped3A[%rem3A_457, %dma_start3A_476, %dma_start3A_477] : memref<2x128x384xf32, #tpu.memory_space<vmem>> -> memref<1x128x384xf32, #tpu.memory_space<vmem>>
          %dma_start3A_479 = tpu.memref_squeeze %dma_start3A_478 : memref<1x128x384xf32, #tpu.memory_space<vmem>> -> memref<128x384xf32, #tpu.memory_space<vmem>>
          %dma_start3A_480 = arith.constant 0 : i32
          %dma_start3A_481 = tpu.memref_slice %arg2[%mul3A_475, %dma_start3A_480] : memref<4096x384xf32, #tpu.memory_space<hbm>> -> memref<128x384xf32, #tpu.memory_space<hbm>>
          %dma_start3A_482 = tpu.memref_slice %run_scoped3A_7[%rem3A_457] : memref<2x!tpu.dma_semaphore, #tpu.memory_space<semaphore_mem>> -> memref<1x!tpu.dma_semaphore, #tpu.memory_space<semaphore_mem>>
          %dma_start3A_483 = tpu.memref_squeeze %dma_start3A_482 : memref<1x!tpu.dma_semaphore, #tpu.memory_space<semaphore_mem>> -> memref<!tpu.dma_semaphore, #tpu.memory_space<semaphore_mem>>
          %dma_start3A_484 = arith.constant 0 : i32
          %dma_start3A_485 = arith.constant 0 : i32
          %dma_start3A_486 = tpu.memref_slice %run_scoped3A[%rem3A_457, %dma_start3A_484, %dma_start3A_485] : memref<2x128x384xf32, #tpu.memory_space<vmem>> -> memref<1x128x384xf32, #tpu.memory_space<vmem>>
          %dma_start3A_487 = tpu.memref_squeeze %dma_start3A_486 : memref<1x128x384xf32, #tpu.memory_space<vmem>> -> memref<128x384xf32, #tpu.memory_space<vmem>>
          %dma_start3A_488 = arith.constant 0 : i32
          %dma_start3A_489 = tpu.memref_slice %arg2[%mul3A_475, %dma_start3A_488] : memref<4096x384xf32, #tpu.memory_space<hbm>> -> memref<128x384xf32, #tpu.memory_space<hbm>>
          tpu.enqueue_dma source(%dma_start3A_489 : memref<128x384xf32, #tpu.memory_space<hbm>>) target(%dma_start3A_487 : memref<128x384xf32, #tpu.memory_space<vmem>>) target_semaphore(%dma_start3A_483 : memref<!tpu.dma_semaphore, #tpu.memory_space<semaphore_mem>>)
          "tpu.trace_stop"() : () -> ()
        } else {
        }
        %and3A_218 = arith.constant true
        %and3A_219 = arith.andi %and3A_216, %and3A_218 : i1
        %add3A_220 = arith.constant 1 : i32
        %add3A_221 = arith.addi %scan3A_141, %add3A_220 : i32
        %select_n3A_222 = arith.select %and3A_219, %add3A_221, %scan3A_141 : i32
        %ne3A_223 = arith.cmpi ne, %add3A_150, %add3A_168 : i32
        %or3A_224 = arith.constant false
        %or3A_225 = arith.ori %or3A_224, %ne3A_223 : i1
        %ge3A_226 = arith.constant 1 : i32
        %ge3A_227 = arith.cmpi sge, %scan3A_140, %ge3A_226 : i32
        %not3A_228 = arith.constant true
        %not3A_229 = arith.xori %ge3A_227, %not3A_228 : i1
        %and3A_230 = arith.andi %or3A_225, %not3A_229 : i1
        %convert_element_type3A_231 = arith.extui %and3A_230 : i1 to i32
        %cond3A_232 = arith.constant 0 : i32
        %cond3A_233 = arith.cmpi ne, %convert_element_type3A_231, %cond3A_232 : i32
        scf.if %cond3A_233 {
          "tpu.trace_start"() <{level = 10 : i32, message = "ep_copy_in"}> : () -> ()
          %rem3A_456 = arith.constant 2 : i32
          %rem3A_457 = arith.remui %scan3A_143, %rem3A_456 : i32
          %mul3A_458 = arith.constant 128 : i32
          %mul3A_459 = arith.muli %mul3A_458, %add3A_168 : i32
          %dma_start3A_460 = arith.constant 0 : i32
          %dma_start3A_461 = arith.constant 0 : i32
          %dma_start3A_462 = tpu.memref_slice %run_scoped3A_8[%rem3A_457, %dma_start3A_460, %dma_start3A_461] : memref<2x1x128xi32, #tpu.memory_space<vmem>> -> memref<1x1x128xi32, #tpu.memory_space<vmem>>
          %dma_start3A_463 = tpu.memref_squeeze %dma_start3A_462 : memref<1x1x128xi32, #tpu.memory_space<vmem>> -> memref<1x128xi32, #tpu.memory_space<vmem>>
          %dma_start3A_464 = arith.constant 0 : i32
          %dma_start3A_465 = tpu.memref_slice %arg3[%dma_start3A_464, %mul3A_459] : memref<1x8192xi32, #tpu.memory_space<hbm>> -> memref<1x128xi32, #tpu.memory_space<hbm>>
          %dma_start3A_466 = tpu.memref_slice %run_scoped3A_9[%rem3A_457] : memref<2x!tpu.dma_semaphore, #tpu.memory_space<semaphore_mem>> -> memref<1x!tpu.dma_semaphore, #tpu.memory_space<semaphore_mem>>
          %dma_start3A_467 = tpu.memref_squeeze %dma_start3A_466 : memref<1x!tpu.dma_semaphore, #tpu.memory_space<semaphore_mem>> -> memref<!tpu.dma_semaphore, #tpu.memory_space<semaphore_mem>>
          %dma_start3A_468 = arith.constant 0 : i32
          %dma_start3A_469 = arith.constant 0 : i32
          %dma_start3A_470 = tpu.memref_slice %run_scoped3A_8[%rem3A_457, %dma_start3A_468, %dma_start3A_469] : memref<2x1x128xi32, #tpu.memory_space<vmem>> -> memref<1x1x128xi32, #tpu.memory_space<vmem>>
          %dma_start3A_471 = tpu.memref_squeeze %dma_start3A_470 : memref<1x1x128xi32, #tpu.memory_space<vmem>> -> memref<1x128xi32, #tpu.memory_space<vmem>>
          %dma_start3A_472 = arith.constant 0 : i32
          %dma_start3A_473 = tpu.memref_slice %arg3[%dma_start3A_472, %mul3A_459] : memref<1x8192xi32, #tpu.memory_space<hbm>> -> memref<1x128xi32, #tpu.memory_space<hbm>>
          tpu.enqueue_dma source(%dma_start3A_473 : memref<1x128xi32, #tpu.memory_space<hbm>>) target(%dma_start3A_471 : memref<1x128xi32, #tpu.memory_space<vmem>>) target_semaphore(%dma_start3A_467 : memref<!tpu.dma_semaphore, #tpu.memory_space<semaphore_mem>>)
          "tpu.trace_stop"() : () -> ()
        } else {
        }
        %and3A_234 = arith.constant true
        %and3A_235 = arith.andi %and3A_230, %and3A_234 : i1
        %add3A_236 = arith.constant 1 : i32
        %add3A_237 = arith.addi %scan3A_143, %add3A_236 : i32
        %select_n3A_238 = arith.select %and3A_235, %add3A_237, %scan3A_143 : i32
        %jit3A_239 = arith.constant 32 : i32
        %eq3A_240 = arith.constant 0 : i32
        %eq3A_241 = arith.cmpi eq, %jit3A_239, %eq3A_240 : i32
        %jit3A_242 = arith.constant 1 : i32
        %select_n3A_243 = arith.select %eq3A_241, %jit3A_242, %jit3A_239 : i32
        %rem3A_244 = arith.remsi %add3A_150, %select_n3A_243 : i32
        %ne3A_245 = arith.constant 0 : i32
        %ne3A_246 = arith.cmpi ne, %rem3A_244, %ne3A_245 : i32
        %lt3A_247 = arith.constant 0 : i32
        %lt3A_248 = arith.cmpi slt, %rem3A_244, %lt3A_247 : i32
        %lt3A_249 = arith.constant 0 : i32
        %lt3A_250 = arith.cmpi slt, %select_n3A_243, %lt3A_249 : i32
        %ne3A_251 = arith.xori %lt3A_248, %lt3A_250 : i1
        %and3A_252 = arith.andi %ne3A_251, %ne3A_246 : i1
        %add3A_253 = arith.addi %rem3A_244, %select_n3A_243 : i32
        %select_n3A_254 = arith.select %and3A_252, %add3A_253, %rem3A_244 : i32
        %jit3A_255 = arith.constant 32 : i32
        %eq3A_256 = arith.constant 0 : i32
        %eq3A_257 = arith.cmpi eq, %jit3A_255, %eq3A_256 : i32
        %jit3A_258 = arith.constant 1 : i32
        %select_n3A_259 = arith.select %eq3A_257, %jit3A_258, %jit3A_255 : i32
        %rem3A_260 = arith.remsi %add3A_159, %select_n3A_259 : i32
        %ne3A_261 = arith.constant 0 : i32
        %ne3A_262 = arith.cmpi ne, %rem3A_260, %ne3A_261 : i32
        %lt3A_263 = arith.constant 0 : i32
        %lt3A_264 = arith.cmpi slt, %rem3A_260, %lt3A_263 : i32
        %lt3A_265 = arith.constant 0 : i32
        %lt3A_266 = arith.cmpi slt, %select_n3A_259, %lt3A_265 : i32
        %ne3A_267 = arith.xori %lt3A_264, %lt3A_266 : i1
        %and3A_268 = arith.andi %ne3A_267, %ne3A_262 : i1
        %add3A_269 = arith.addi %rem3A_260, %select_n3A_259 : i32
        %select_n3A_270 = arith.select %and3A_268, %add3A_269, %rem3A_260 : i32
        %ne3A_271 = arith.cmpi ne, %select_n3A_254, %select_n3A_270 : i32
        %or3A_272 = arith.constant false
        %or3A_273 = arith.ori %or3A_272, %ne3A_271 : i1
        %or3A_274 = arith.constant false
        %or3A_275 = arith.ori %or3A_273, %or3A_274 : i1
        %or3A_276 = arith.ori %or3A_275, %eq3A_147 : i1
        %convert_element_type3A_277 = arith.extui %or3A_276 : i1 to i32
        %cond3A_278 = arith.constant 0 : i32
        %cond3A_279 = arith.cmpi ne, %convert_element_type3A_277, %cond3A_278 : i32
        scf.if %cond3A_279 {
          %jit3A_456 = arith.constant 32 : i32
          "tpu.trace_start"() <{level = 10 : i32, message = "ep_wait_in"}> : () -> ()
          %eq3A_457 = arith.constant 0 : i32
          %eq3A_458 = arith.cmpi eq, %jit3A_456, %eq3A_457 : i32
          %jit3A_459 = arith.constant 1 : i32
          %select_n3A_460 = arith.select %eq3A_458, %jit3A_459, %jit3A_456 : i32
          %rem3A_461 = arith.remsi %add3A_150, %select_n3A_460 : i32
          %ne3A_462 = arith.constant 0 : i32
          %ne3A_463 = arith.cmpi ne, %rem3A_461, %ne3A_462 : i32
          %lt3A_464 = arith.constant 0 : i32
          %lt3A_465 = arith.cmpi slt, %rem3A_461, %lt3A_464 : i32
          %lt3A_466 = arith.constant 0 : i32
          %lt3A_467 = arith.cmpi slt, %select_n3A_460, %lt3A_466 : i32
          %ne3A_468 = arith.xori %lt3A_465, %lt3A_467 : i1
          %and3A_469 = arith.andi %ne3A_468, %ne3A_463 : i1
          %add3A_470 = arith.addi %rem3A_461, %select_n3A_460 : i32
          %select_n3A_471 = arith.select %and3A_469, %add3A_470, %rem3A_461 : i32
          %mul3A_472 = arith.constant 128 : i32
          %mul3A_473 = arith.muli %mul3A_472, %select_n3A_471 : i32
          %rem3A_474 = arith.constant 2 : i32
          %rem3A_475 = arith.remui %scan3A_142, %rem3A_474 : i32
          %dma_wait3A = arith.constant 0 : i32
          %dma_wait3A_476 = arith.constant 0 : i32
          %dma_wait3A_477 = tpu.memref_slice %run_scoped3A[%rem3A_475, %dma_wait3A, %dma_wait3A_476] : memref<2x128x384xf32, #tpu.memory_space<vmem>> -> memref<1x128x384xf32, #tpu.memory_space<vmem>>
          %dma_wait3A_478 = tpu.memref_squeeze %dma_wait3A_477 : memref<1x128x384xf32, #tpu.memory_space<vmem>> -> memref<128x384xf32, #tpu.memory_space<vmem>>
          %dma_wait3A_479 = arith.constant 0 : i32
          %dma_wait3A_480 = tpu.memref_slice %arg2[%mul3A_473, %dma_wait3A_479] : memref<4096x384xf32, #tpu.memory_space<hbm>> -> memref<128x384xf32, #tpu.memory_space<hbm>>
          %dma_wait3A_481 = tpu.memref_slice %run_scoped3A_7[%rem3A_475] : memref<2x!tpu.dma_semaphore, #tpu.memory_space<semaphore_mem>> -> memref<1x!tpu.dma_semaphore, #tpu.memory_space<semaphore_mem>>
          %dma_wait3A_482 = tpu.memref_squeeze %dma_wait3A_481 : memref<1x!tpu.dma_semaphore, #tpu.memory_space<semaphore_mem>> -> memref<!tpu.dma_semaphore, #tpu.memory_space<semaphore_mem>>
          %dma_wait3A_483 = arith.constant 0 : i32
          %dma_wait3A_484 = arith.constant 0 : i32
          %dma_wait3A_485 = tpu.memref_slice %run_scoped3A[%rem3A_475, %dma_wait3A_483, %dma_wait3A_484] : memref<2x128x384xf32, #tpu.memory_space<vmem>> -> memref<1x128x384xf32, #tpu.memory_space<vmem>>
          %dma_wait3A_486 = tpu.memref_squeeze %dma_wait3A_485 : memref<1x128x384xf32, #tpu.memory_space<vmem>> -> memref<128x384xf32, #tpu.memory_space<vmem>>
          %dma_wait3A_487 = arith.constant 0 : i32
          %dma_wait3A_488 = tpu.memref_slice %arg2[%mul3A_473, %dma_wait3A_487] : memref<4096x384xf32, #tpu.memory_space<hbm>> -> memref<128x384xf32, #tpu.memory_space<hbm>>
          tpu.wait_dma2 semaphore(%dma_wait3A_482 : memref<!tpu.dma_semaphore, #tpu.memory_space<semaphore_mem>>) src(%dma_wait3A_488 : memref<128x384xf32, #tpu.memory_space<hbm>>) dst(%dma_wait3A_486 : memref<128x384xf32, #tpu.memory_space<vmem>>)
          "tpu.trace_stop"() : () -> ()
        } else {
        }
        %ne3A_280 = arith.cmpi ne, %add3A_150, %add3A_159 : i32
        %or3A_281 = arith.constant false
        %or3A_282 = arith.ori %or3A_281, %ne3A_280 : i1
        %or3A_283 = arith.ori %or3A_282, %eq3A_147 : i1
        %convert_element_type3A_284 = arith.extui %or3A_283 : i1 to i32
        %cond3A_285 = arith.constant 0 : i32
        %cond3A_286 = arith.cmpi ne, %convert_element_type3A_284, %cond3A_285 : i32
        scf.if %cond3A_286 {
          "tpu.trace_start"() <{level = 10 : i32, message = "ep_wait_in"}> : () -> ()
          %mul3A_456 = arith.constant 128 : i32
          %mul3A_457 = arith.muli %mul3A_456, %add3A_150 : i32
          %rem3A_458 = arith.constant 2 : i32
          %rem3A_459 = arith.remui %scan3A_144, %rem3A_458 : i32
          %dma_wait3A = arith.constant 0 : i32
          %dma_wait3A_460 = arith.constant 0 : i32
          %dma_wait3A_461 = tpu.memref_slice %run_scoped3A_8[%rem3A_459, %dma_wait3A, %dma_wait3A_460] : memref<2x1x128xi32, #tpu.memory_space<vmem>> -> memref<1x1x128xi32, #tpu.memory_space<vmem>>
          %dma_wait3A_462 = tpu.memref_squeeze %dma_wait3A_461 : memref<1x1x128xi32, #tpu.memory_space<vmem>> -> memref<1x128xi32, #tpu.memory_space<vmem>>
          %dma_wait3A_463 = arith.constant 0 : i32
          %dma_wait3A_464 = tpu.memref_slice %arg3[%dma_wait3A_463, %mul3A_457] : memref<1x8192xi32, #tpu.memory_space<hbm>> -> memref<1x128xi32, #tpu.memory_space<hbm>>
          %dma_wait3A_465 = tpu.memref_slice %run_scoped3A_9[%rem3A_459] : memref<2x!tpu.dma_semaphore, #tpu.memory_space<semaphore_mem>> -> memref<1x!tpu.dma_semaphore, #tpu.memory_space<semaphore_mem>>
          %dma_wait3A_466 = tpu.memref_squeeze %dma_wait3A_465 : memref<1x!tpu.dma_semaphore, #tpu.memory_space<semaphore_mem>> -> memref<!tpu.dma_semaphore, #tpu.memory_space<semaphore_mem>>
          %dma_wait3A_467 = arith.constant 0 : i32
          %dma_wait3A_468 = arith.constant 0 : i32
          %dma_wait3A_469 = tpu.memref_slice %run_scoped3A_8[%rem3A_459, %dma_wait3A_467, %dma_wait3A_468] : memref<2x1x128xi32, #tpu.memory_space<vmem>> -> memref<1x1x128xi32, #tpu.memory_space<vmem>>
          %dma_wait3A_470 = tpu.memref_squeeze %dma_wait3A_469 : memref<1x1x128xi32, #tpu.memory_space<vmem>> -> memref<1x128xi32, #tpu.memory_space<vmem>>
          %dma_wait3A_471 = arith.constant 0 : i32
          %dma_wait3A_472 = tpu.memref_slice %arg3[%dma_wait3A_471, %mul3A_457] : memref<1x8192xi32, #tpu.memory_space<hbm>> -> memref<1x128xi32, #tpu.memory_space<hbm>>
          tpu.wait_dma2 semaphore(%dma_wait3A_466 : memref<!tpu.dma_semaphore, #tpu.memory_space<semaphore_mem>>) src(%dma_wait3A_472 : memref<1x128xi32, #tpu.memory_space<hbm>>) dst(%dma_wait3A_470 : memref<1x128xi32, #tpu.memory_space<vmem>>)
          "tpu.trace_stop"() : () -> ()
        } else {
        }
        %rem3A_287 = arith.constant 2 : i32
        %rem3A_288 = arith.remui %scan3A_142, %rem3A_287 : i32
        %rem3A_289 = arith.constant 2 : i32
        %rem3A_290 = arith.remui %scan3A_144, %rem3A_289 : i32
        %run_scoped3A_291 = arith.constant 0 : i32
        "tpu.trace_start"() <{level = 10 : i32, message = "ep_run_kernel"}> : () -> ()
        "tpu.region"() ({
          %run_scoped3A_456 = tpu.sem_alloc : memref<!tpu.dma_semaphore, #tpu.memory_space<semaphore_mem>>
          %dma_start3A_457 = arith.constant 0 : i32
          %dma_start3A_458 = arith.constant 0 : i32
          %dma_start3A_459 = tpu.memref_slice %run_scoped3A[%rem3A_288, %dma_start3A_457, %dma_start3A_458] : memref<2x128x384xf32, #tpu.memory_space<vmem>> -> memref<1x128x384xf32, #tpu.memory_space<vmem>>
          %dma_start3A_460 = tpu.memref_squeeze %dma_start3A_459 : memref<1x128x384xf32, #tpu.memory_space<vmem>> -> memref<128x384xf32, #tpu.memory_space<vmem>>
          %dma_start3A_461 = arith.constant 0 : i32
          %dma_start3A_462 = arith.constant 0 : i32
          %dma_start3A_463 = tpu.memref_slice %run_scoped3A_8[%rem3A_290, %dma_start3A_461, %dma_start3A_462] : memref<2x1x128xi32, #tpu.memory_space<vmem>> -> memref<1x1x128xi32, #tpu.memory_space<vmem>>
          %dma_start3A_464 = tpu.memref_squeeze %dma_start3A_463 : memref<1x1x128xi32, #tpu.memory_space<vmem>> -> memref<1x128xi32, #tpu.memory_space<vmem>>
          %dma_start3A_465 = arith.constant 0 : i32
          %dma_start3A_466 = tpu.memref_slice %dma_start3A_464[%run_scoped3A_291, %dma_start3A_465] : memref<1x128xi32, #tpu.memory_space<vmem>> -> memref<1x128xi32, #tpu.memory_space<vmem>>
          %dma_start3A_467 = tpu.memref_squeeze %dma_start3A_466 : memref<1x128xi32, #tpu.memory_space<vmem>> -> memref<128xi32, #tpu.memory_space<vmem>>
          %dma_start3A_468 = arith.constant 0 : i32
          %dma_start3A_469 = arith.constant 0 : i32
          %dma_start3A_470 = tpu.memref_slice %arg4[%dma_start3A_468, %dma_start3A_469] : memref<12304x384xf32, #tpu.memory_space<hbm>> -> memref<12304x384xf32, #tpu.memory_space<hbm>>
          tpu.enqueue_indirect_dma source(%dma_start3A_460 : memref<128x384xf32, #tpu.memory_space<vmem>>) target(%dma_start3A_470 : memref<12304x384xf32, #tpu.memory_space<hbm>>) offsets(%dma_start3A_467 : memref<128xi32, #tpu.memory_space<vmem>>) semaphore(%run_scoped3A_456 : memref<!tpu.dma_semaphore, #tpu.memory_space<semaphore_mem>>)
          %dma_wait3A = arith.constant 0 : i32
          %dma_wait3A_471 = arith.constant 0 : i32
          %dma_wait3A_472 = tpu.memref_slice %run_scoped3A[%rem3A_288, %dma_wait3A, %dma_wait3A_471] : memref<2x128x384xf32, #tpu.memory_space<vmem>> -> memref<1x128x384xf32, #tpu.memory_space<vmem>>
          %dma_wait3A_473 = tpu.memref_squeeze %dma_wait3A_472 : memref<1x128x384xf32, #tpu.memory_space<vmem>> -> memref<128x384xf32, #tpu.memory_space<vmem>>
          %dma_wait3A_474 = arith.constant 0 : i32
          %dma_wait3A_475 = arith.constant 0 : i32
          %dma_wait3A_476 = tpu.memref_slice %run_scoped3A_8[%rem3A_290, %dma_wait3A_474, %dma_wait3A_475] : memref<2x1x128xi32, #tpu.memory_space<vmem>> -> memref<1x1x128xi32, #tpu.memory_space<vmem>>
          %dma_wait3A_477 = tpu.memref_squeeze %dma_wait3A_476 : memref<1x1x128xi32, #tpu.memory_space<vmem>> -> memref<1x128xi32, #tpu.memory_space<vmem>>
          %dma_wait3A_478 = arith.constant 0 : i32
          %dma_wait3A_479 = tpu.memref_slice %dma_wait3A_477[%run_scoped3A_291, %dma_wait3A_478] : memref<1x128xi32, #tpu.memory_space<vmem>> -> memref<1x128xi32, #tpu.memory_space<vmem>>
          %dma_wait3A_480 = tpu.memref_squeeze %dma_wait3A_479 : memref<1x128xi32, #tpu.memory_space<vmem>> -> memref<128xi32, #tpu.memory_space<vmem>>
          %dma_wait3A_481 = arith.constant 0 : i32
          %dma_wait3A_482 = arith.constant 0 : i32
          %dma_wait3A_483 = tpu.memref_slice %arg4[%dma_wait3A_481, %dma_wait3A_482] : memref<12304x384xf32, #tpu.memory_space<hbm>> -> memref<12304x384xf32, #tpu.memory_space<hbm>>
          tpu.wait_indirect_dma semaphore(%run_scoped3A_456 : memref<!tpu.dma_semaphore, #tpu.memory_space<semaphore_mem>>) src(%dma_wait3A_473 : memref<128x384xf32, #tpu.memory_space<vmem>>) dst(%dma_wait3A_483 : memref<12304x384xf32, #tpu.memory_space<hbm>>)
          tpu.yield
        }) : () -> ()
        %jit3A_292 = arith.constant 32 : i32
        "tpu.trace_stop"() : () -> ()
        %eq3A_293 = arith.constant 0 : i32
        %eq3A_294 = arith.cmpi eq, %jit3A_292, %eq3A_293 : i32
        %jit3A_295 = arith.constant 1 : i32
        %select_n3A_296 = arith.select %eq3A_294, %jit3A_295, %jit3A_292 : i32
        %rem3A_297 = arith.remsi %add3A_150, %select_n3A_296 : i32
        %ne3A_298 = arith.constant 0 : i32
        %ne3A_299 = arith.cmpi ne, %rem3A_297, %ne3A_298 : i32
        %lt3A_300 = arith.constant 0 : i32
        %lt3A_301 = arith.cmpi slt, %rem3A_297, %lt3A_300 : i32
        %lt3A_302 = arith.constant 0 : i32
        %lt3A_303 = arith.cmpi slt, %select_n3A_296, %lt3A_302 : i32
        %ne3A_304 = arith.xori %lt3A_301, %lt3A_303 : i1
        %and3A_305 = arith.andi %ne3A_304, %ne3A_299 : i1
        %add3A_306 = arith.addi %rem3A_297, %select_n3A_296 : i32
        %select_n3A_307 = arith.select %and3A_305, %add3A_306, %rem3A_297 : i32
        %jit3A_308 = arith.constant 32 : i32
        %eq3A_309 = arith.constant 0 : i32
        %eq3A_310 = arith.cmpi eq, %jit3A_308, %eq3A_309 : i32
        %jit3A_311 = arith.constant 1 : i32
        %select_n3A_312 = arith.select %eq3A_310, %jit3A_311, %jit3A_308 : i32
        %rem3A_313 = arith.remsi %add3A_168, %select_n3A_312 : i32
        %ne3A_314 = arith.constant 0 : i32
        %ne3A_315 = arith.cmpi ne, %rem3A_313, %ne3A_314 : i32
        %lt3A_316 = arith.constant 0 : i32
        %lt3A_317 = arith.cmpi slt, %rem3A_313, %lt3A_316 : i32
        %lt3A_318 = arith.constant 0 : i32
        %lt3A_319 = arith.cmpi slt, %select_n3A_312, %lt3A_318 : i32
        %ne3A_320 = arith.xori %lt3A_317, %lt3A_319 : i1
        %and3A_321 = arith.andi %ne3A_320, %ne3A_315 : i1
        %add3A_322 = arith.addi %rem3A_313, %select_n3A_312 : i32
        %select_n3A_323 = arith.select %and3A_321, %add3A_322, %rem3A_313 : i32
        %ne3A_324 = arith.cmpi ne, %select_n3A_307, %select_n3A_323 : i32
        %or3A_325 = arith.constant false
        %or3A_326 = arith.ori %or3A_325, %ne3A_324 : i1
        %or3A_327 = arith.constant false
        %or3A_328 = arith.ori %or3A_326, %or3A_327 : i1
        %or3A_329 = arith.ori %or3A_328, %eq3A_149 : i1
        %convert_element_type3A_330 = arith.extui %or3A_329 : i1 to i32
        %cond3A_331 = arith.constant 0 : i32
        %cond3A_332 = arith.cmpi ne, %convert_element_type3A_330, %cond3A_331 : i32
        scf.if %cond3A_332 {
        } else {
        }
        %and3A_333 = arith.constant false
        %and3A_334 = arith.andi %or3A_329, %and3A_333 : i1
        %ne3A_335 = arith.cmpi ne, %add3A_150, %add3A_168 : i32
        %or3A_336 = arith.constant false
        %or3A_337 = arith.ori %or3A_336, %ne3A_335 : i1
        %or3A_338 = arith.ori %or3A_337, %eq3A_149 : i1
        %convert_element_type3A_339 = arith.extui %or3A_338 : i1 to i32
        %cond3A_340 = arith.constant 0 : i32
        %cond3A_341 = arith.cmpi ne, %convert_element_type3A_339, %cond3A_340 : i32
        scf.if %cond3A_341 {
        } else {
        }
        %and3A_342 = arith.constant false
        %and3A_343 = arith.andi %or3A_338, %and3A_342 : i1
        %jit3A_344 = arith.constant 32 : i32
        %eq3A_345 = arith.constant 0 : i32
        %eq3A_346 = arith.cmpi eq, %jit3A_344, %eq3A_345 : i32
        %jit3A_347 = arith.constant 1 : i32
        %select_n3A_348 = arith.select %eq3A_346, %jit3A_347, %jit3A_344 : i32
        %rem3A_349 = arith.remsi %add3A_150, %select_n3A_348 : i32
        %ne3A_350 = arith.constant 0 : i32
        %ne3A_351 = arith.cmpi ne, %rem3A_349, %ne3A_350 : i32
        %lt3A_352 = arith.constant 0 : i32
        %lt3A_353 = arith.cmpi slt, %rem3A_349, %lt3A_352 : i32
        %lt3A_354 = arith.constant 0 : i32
        %lt3A_355 = arith.cmpi slt, %select_n3A_348, %lt3A_354 : i32
        %ne3A_356 = arith.xori %lt3A_353, %lt3A_355 : i1
        %and3A_357 = arith.andi %ne3A_356, %ne3A_351 : i1
        %add3A_358 = arith.addi %rem3A_349, %select_n3A_348 : i32
        %select_n3A_359 = arith.select %and3A_357, %add3A_358, %rem3A_349 : i32
        %jit3A_360 = arith.constant 32 : i32
        %eq3A_361 = arith.constant 0 : i32
        %eq3A_362 = arith.cmpi eq, %jit3A_360, %eq3A_361 : i32
        %jit3A_363 = arith.constant 1 : i32
        %select_n3A_364 = arith.select %eq3A_362, %jit3A_363, %jit3A_360 : i32
        %rem3A_365 = arith.remsi %add3A_159, %select_n3A_364 : i32
        %ne3A_366 = arith.constant 0 : i32
        %ne3A_367 = arith.cmpi ne, %rem3A_365, %ne3A_366 : i32
        %lt3A_368 = arith.constant 0 : i32
        %lt3A_369 = arith.cmpi slt, %rem3A_365, %lt3A_368 : i32
        %lt3A_370 = arith.constant 0 : i32
        %lt3A_371 = arith.cmpi slt, %select_n3A_364, %lt3A_370 : i32
        %ne3A_372 = arith.xori %lt3A_369, %lt3A_371 : i1
        %and3A_373 = arith.andi %ne3A_372, %ne3A_367 : i1
        %add3A_374 = arith.addi %rem3A_365, %select_n3A_364 : i32
        %select_n3A_375 = arith.select %and3A_373, %add3A_374, %rem3A_365 : i32
        %ne3A_376 = arith.cmpi ne, %select_n3A_359, %select_n3A_375 : i32
        %or3A_377 = arith.constant false
        %or3A_378 = arith.ori %or3A_377, %ne3A_376 : i1
        %or3A_379 = arith.constant false
        %or3A_380 = arith.ori %or3A_378, %or3A_379 : i1
        %not3A_381 = arith.constant true
        %not3A_382 = arith.xori %eq3A_147, %not3A_381 : i1
        %and3A_383 = arith.andi %or3A_380, %not3A_382 : i1
        %convert_element_type3A_384 = arith.extui %and3A_383 : i1 to i32
        %cond3A_385 = arith.constant 0 : i32
        %cond3A_386 = arith.cmpi ne, %convert_element_type3A_384, %cond3A_385 : i32
        scf.if %cond3A_386 {
        } else {
        }
        %and3A_387 = arith.constant false
        %and3A_388 = arith.andi %and3A_383, %and3A_387 : i1
        %ne3A_389 = arith.cmpi ne, %add3A_150, %add3A_159 : i32
        %or3A_390 = arith.constant false
        %or3A_391 = arith.ori %or3A_390, %ne3A_389 : i1
        %not3A_392 = arith.constant true
        %not3A_393 = arith.xori %eq3A_147, %not3A_392 : i1
        %and3A_394 = arith.andi %or3A_391, %not3A_393 : i1
        %convert_element_type3A_395 = arith.extui %and3A_394 : i1 to i32
        %cond3A_396 = arith.constant 0 : i32
        %cond3A_397 = arith.cmpi ne, %convert_element_type3A_395, %cond3A_396 : i32
        scf.if %cond3A_397 {
        } else {
        }
        %and3A_398 = arith.constant false
        %and3A_399 = arith.andi %and3A_394, %and3A_398 : i1
        %jit3A_400 = arith.constant 32 : i32
        %eq3A_401 = arith.constant 0 : i32
        %eq3A_402 = arith.cmpi eq, %jit3A_400, %eq3A_401 : i32
        %jit3A_403 = arith.constant 1 : i32
        %select_n3A_404 = arith.select %eq3A_402, %jit3A_403, %jit3A_400 : i32
        %rem3A_405 = arith.remsi %add3A_150, %select_n3A_404 : i32
        %ne3A_406 = arith.constant 0 : i32
        %ne3A_407 = arith.cmpi ne, %rem3A_405, %ne3A_406 : i32
        %lt3A_408 = arith.constant 0 : i32
        %lt3A_409 = arith.cmpi slt, %rem3A_405, %lt3A_408 : i32
        %lt3A_410 = arith.constant 0 : i32
        %lt3A_411 = arith.cmpi slt, %select_n3A_404, %lt3A_410 : i32
        %ne3A_412 = arith.xori %lt3A_409, %lt3A_411 : i1
        %and3A_413 = arith.andi %ne3A_412, %ne3A_407 : i1
        %add3A_414 = arith.addi %rem3A_405, %select_n3A_404 : i32
        %select_n3A_415 = arith.select %and3A_413, %add3A_414, %rem3A_405 : i32
        %jit3A_416 = arith.constant 32 : i32
        %eq3A_417 = arith.constant 0 : i32
        %eq3A_418 = arith.cmpi eq, %jit3A_416, %eq3A_417 : i32
        %jit3A_419 = arith.constant 1 : i32
        %select_n3A_420 = arith.select %eq3A_418, %jit3A_419, %jit3A_416 : i32
        %rem3A_421 = arith.remsi %add3A_168, %select_n3A_420 : i32
        %ne3A_422 = arith.constant 0 : i32
        %ne3A_423 = arith.cmpi ne, %rem3A_421, %ne3A_422 : i32
        %lt3A_424 = arith.constant 0 : i32
        %lt3A_425 = arith.cmpi slt, %rem3A_421, %lt3A_424 : i32
        %lt3A_426 = arith.constant 0 : i32
        %lt3A_427 = arith.cmpi slt, %select_n3A_420, %lt3A_426 : i32
        %ne3A_428 = arith.xori %lt3A_425, %lt3A_427 : i1
        %and3A_429 = arith.andi %ne3A_428, %ne3A_423 : i1
        %add3A_430 = arith.addi %rem3A_421, %select_n3A_420 : i32
        %select_n3A_431 = arith.select %and3A_429, %add3A_430, %rem3A_421 : i32
        %ne3A_432 = arith.cmpi ne, %select_n3A_415, %select_n3A_431 : i32
        %or3A_433 = arith.constant false
        %or3A_434 = arith.ori %or3A_433, %ne3A_432 : i1
        %or3A_435 = arith.constant false
        %or3A_436 = arith.ori %or3A_434, %or3A_435 : i1
        %or3A_437 = arith.ori %or3A_436, %eq3A_149 : i1
        %add3A_438 = arith.constant 1 : i32
        %add3A_439 = arith.addi %scan3A_142, %add3A_438 : i32
        %select_n3A_440 = arith.select %or3A_437, %add3A_439, %scan3A_142 : i32
        %ne3A_441 = arith.cmpi ne, %add3A_150, %add3A_168 : i32
        %or3A_442 = arith.constant false
        %or3A_443 = arith.ori %or3A_442, %ne3A_441 : i1
        %or3A_444 = arith.ori %or3A_443, %eq3A_149 : i1
        %add3A_445 = arith.constant 1 : i32
        %add3A_446 = arith.addi %scan3A_144, %add3A_445 : i32
        %select_n3A_447 = arith.select %or3A_444, %add3A_446, %scan3A_144 : i32
        %add3A_448 = arith.constant 1 : i32
        %add3A_449 = arith.addi %scan3A_145, %add3A_448 : i32
        %select_n3A_450 = arith.constant true
        %select_n3A_451 = arith.select %select_n3A_450, %add3A_449, %scan3A_145 : i32
        %eq3A_452 = arith.constant 2 : i32
        %eq3A_453 = arith.cmpi eq, %select_n3A_451, %eq3A_452 : i32
        %select_n3A_454 = arith.constant 0 : i32
        %select_n3A_455 = arith.select %eq3A_453, %select_n3A_454, %select_n3A_451 : i32
        scf.yield %select_n3A_222, %select_n3A_440, %select_n3A_238, %select_n3A_447, %select_n3A_455 : i32, i32, i32, i32, i32
      }
      %scan3A_104 = arith.constant 2 : i32
      %sub3A = arith.constant 1 : i32
      %sub3A_105 = arith.subi %scan3A_103#4, %sub3A : i32
      %select_n3A_106 = arith.constant true
      %select_n3A_107 = arith.select %select_n3A_106, %sub3A_105, %scan3A_103#4 : i32
      %eq3A_108 = arith.constant -1 : i32
      %eq3A_109 = arith.cmpi eq, %select_n3A_107, %eq3A_108 : i32
      %select_n3A_110 = arith.constant 1 : i32
      %select_n3A_111 = arith.select %eq3A_109, %select_n3A_110, %select_n3A_107 : i32
      %add3A_112 = arith.addi %select_n3A_111, %mul3A_6 : i32
      %sub3A_113 = arith.constant 1 : i32
      %sub3A_114 = arith.subi %select_n3A_111, %sub3A_113 : i32
      %select_n3A_115 = arith.constant true
      %select_n3A_116 = arith.select %select_n3A_115, %sub3A_114, %select_n3A_111 : i32
      %eq3A_117 = arith.constant -1 : i32
      %eq3A_118 = arith.cmpi eq, %select_n3A_116, %eq3A_117 : i32
      %select_n3A_119 = arith.constant 1 : i32
      %select_n3A_120 = arith.select %eq3A_118, %select_n3A_119, %select_n3A_116 : i32
      %add3A_121 = arith.addi %select_n3A_120, %mul3A_6 : i32
      %add3A_122 = arith.constant 1 : i32
      %add3A_123 = arith.addi %select_n3A_111, %add3A_122 : i32
      %select_n3A_124 = arith.constant true
      %select_n3A_125 = arith.select %select_n3A_124, %add3A_123, %select_n3A_111 : i32
      %eq3A_126 = arith.constant 2 : i32
      %eq3A_127 = arith.cmpi eq, %select_n3A_125, %eq3A_126 : i32
      %select_n3A_128 = arith.constant 0 : i32
      %select_n3A_129 = arith.select %eq3A_127, %select_n3A_128, %select_n3A_125 : i32
      %add3A_130 = arith.addi %select_n3A_129, %mul3A_6 : i32
      %add3A_131 = arith.constant 1 : i32
      %add3A_132 = arith.addi %select_n3A_129, %add3A_131 : i32
      %select_n3A_133 = arith.constant true
      %select_n3A_134 = arith.select %select_n3A_133, %add3A_132, %select_n3A_129 : i32
      %eq3A_135 = arith.constant 2 : i32
      %eq3A_136 = arith.cmpi eq, %select_n3A_134, %eq3A_135 : i32
      %select_n3A_137 = arith.constant 0 : i32
      %select_n3A_138 = arith.select %eq3A_136, %select_n3A_137, %select_n3A_134 : i32
      %add3A_139 = arith.addi %select_n3A_138, %mul3A_6 : i32
      tpu.yield
    }) : () -> ()
    return
  }
}

</mosaic_0001>

<sc_bundles>
// kernel: _sc_dispatch.3.cloned.1.call-start
scs
__scs_entry_jumppad:
0x0: {  	(pc) =	sbr.rel $0x88, $3  }
0x1: {  	(tag) =	ssettag $0x0;
	lr =	simm.s32 $0x1  }
0x2: {  	[smem:$0x3F9F] =	sst lr;
	_ =	strace $0xD0000000  }
0x3: {  	_ = 	snop  }
0x4: {  	_ = 	snop  }
0x5: {  	_ = 	snop  }
0x6: {  	_ = 	snop  }
0x7: {  	_ = 	snop  }
__scs_overlays_trampoline_lowered:
0x8: {  	[smem:$0x3FAE] =	sst s0  }
0x9: {  	[smem:$0x3FAF] =	sst s1  }
0xa: {  	[smem:$0x3FB0] =	sst s2  }
0xb: {  	[smem:$0x3FB1] =	sst s3  }
0xc: {  	[smem:$0x3FB2] =	sst s4  }
0xd: {  	[smem:$0x3FB3] =	sst s5  }
0xe: {  	[smem:$0x3FB4] =	sst s6  }
0xf: {  	[smem:$0x3FB5] =	sst s7  }
0x10: {  	[smem:$0x3FB6] =	sst s8  }
0x11: {  	[smem:$0x3FB7] =	sst s9;
	s0 =	simm.s32 @!p0 $0x0  }
0x12: {  	s1 =	sld [smem:$0x3F9D];
	s0 =	simm.s32 @p0 $0x1  }
0x13: {  	[smem:$0x3FB8] =	sst s0;
	s0 =	simm.s32 @!p1 $0x0  }
0x14: {  	s2 =	sld [smem:$0x3F9C];
	s0 =	simm.s32 @p1 $0x1  }
0x15: {  	[smem:$0x3FB9] =	sst s0;
	s0 =	simm.s32 @!p2 $0x0  }
0x16: {  	s3 =	sld [smem:$0x3FDB];
	s0 =	simm.s32 @p2 $0x1  }
0x17: {  	s4 =	simm.s32 $0x1BF5;
	[smem:$0x3FBB] =	sst s0  }
0x18: {  	s0 =	sld [smem:$0x3F9E];
	_ =	swait.ge [sflag:s4], $0x0  }
0x19: {  	s7 =	sld [smem:$0x3F9F]  }
0x1a: {  	s8 =	sadd.s32 $0xFFFFE003, lr  }
0x1b: {  	s9 =	sadd.s32 $0xFFFFFEF7, lr;
	s5 =	simm.s32 $0xFFFFFFFF;
	p2 =	slt.u32 s8, $0xFFFFF086  }
0x1c: {  	p1 =	slt.u32 s9, $0xF7A;
	s5 =	simm.s32 @!p2 $0x0  }
0x1d: {  	s5 =	simm.s32 @p1 $0x1;
	p0 =	seq.s32 s7, s2  }
0x1e: {  	s7 =	smul.u32 @!p0 $0xF7A, s2;
	p2 =	seq.s32 @!p0 s5, $0x0  }
0x1f: {  	s9 =	smul.u32 $0xF7A, s1;
	s8 =	simm.s32 @!p0 $0x1BF5;
	p2 =	por !p2, p0  }
0x20: {  	[sflag:s8] =	ssyncset.s32 @!p0 $0xFFFFF086;
	s6 =	sadd.s32 @!p0 s3, s7;
	s7 =	simm.s32 @!p0 $0x108  }
0x21: {  	s3 =	sadd.s32 s3, s9;
	s6 =	sadd.s32 @!p0 $0x88, s6;
	s7 =	simm.s32 @p2 $0x1082  }
0x22: {  	[simem:s7], [sflag:s8] =	dma.local @!p0 [hbm:s6], $0xF7A  }
0x23: {  	s9 =	sor.u32 $0xD0000000, s2;
	s6 =	simm.s32 $0x108;
	_ =	swait.ge @!p0 [sflag:s8], $0x0  }
0x24: {  	s3 =	sadd.s32 $0x88, s3;
	s6 =	simm.s32 @!p1 $0x1082;
	[sflag:s4] =	ssyncset.s32 $0xFFFFF086  }
0x25: {  	[simem:s6], [sflag:s4] =	dma.local [hbm:s3], $0xF7A  }
0x26: {  	[smem:$0x3F9F] =	sst s1;
	(tag) =	ssettag s2;
	_ =	strace s9  }
0x27: {  	s1 =	sld [smem:$0x3FAF]  }
0x28: {  	s2 =	sld [smem:$0x3FB0]  }
0x29: {  	s4 =	sld [smem:$0x3FB2]  }
0x2a: {  	p0 =	seq.s32 s5, $0x0;
	s5 =	sld [smem:$0x3FB3]  }
0x2b: {  	s6 =	sld [smem:$0x3FB4]  }
0x2c: {  	s7 =	sld [smem:$0x3FB5]  }
0x2d: {  	s3 =	simm.s32 $0x108;
	s8 =	sld [smem:$0x3FB6]  }
0x2e: {  	s3 =	simm.s32 @!p0 $0x1082;
	s9 =	sld [smem:$0x3FB7]  }
0x2f: {  	lr =	sadd.s32 s0, s3;
	s0 =	sld [smem:$0x3FAE]  }
0x30: {  	s3 =	sld [smem:$0x3FB1]  }
0x31: {  	[smem:$0x3FBA] =	sst s10  }
0x32: {  	s10 =	sld [smem:$0x3FB8];
	_ =	sdelay $0x3  }
0x33: {  	p0 =	seq.s32 s10, $0x1;
	s10 =	sld [smem:$0x3FBA];
	_ =	sdelay $0x3  }
0x34: {  	[smem:$0x3FBA] =	sst s10  }
0x35: {  	s10 =	sld [smem:$0x3FB9];
	_ =	sdelay $0x3  }
0x36: {  	p1 =	seq.s32 s10, $0x1;
	s10 =	sld [smem:$0x3FBA];
	_ =	sdelay $0x3  }
0x37: {  	[smem:$0x3FBA] =	sst s10  }
0x38: {  	s10 =	sld [smem:$0x3FBB]  }
0x39: {  	_ = 	snop;
	(pc) =	sbr.ind lr, $3  }
0x3a: {  	_ = 	snop  }
0x3b: {  	_ = 	snop  }
0x3c: {  	p2 =	seq.s32 s10, $0x1;
	s10 =	sld [smem:$0x3FBA]  }
0x3d: {  	_ =	shalt  }
0x3e: {  	_ =	shalt  }
0x3f: {  	_ =	shalt  }
0x40: {  	_ =	shalt  }
0x41: {  	_ =	shalt  }
0x42: {  	_ =	shalt  }
0x43: {  	_ =	shalt  }
0x44: {  	_ =	shalt  }
0x45: {  	_ =	shalt  }
0x46: {  	_ =	shalt  }
0x47: {  	_ =	shalt  }
0x48: {  	_ =	shalt  }
0x49: {  	_ =	shalt  }
0x4a: {  	_ =	shalt  }
0x4b: {  	_ =	shalt  }
0x4c: {  	_ =	shalt  }
0x4d: {  	_ =	shalt  }
0x4e: {  	_ =	shalt  }
0x4f: {  	_ =	shalt  }
0x50: {  	_ =	shalt  }
0x51: {  	_ =	shalt  }
0x52: {  	_ =	shalt  }
0x53: {  	_ =	shalt  }
0x54: {  	_ =	shalt  }
0x55: {  	_ =	shalt  }
0x56: {  	_ =	shalt  }
0x57: {  	_ =	shalt  }
0x58: {  	_ =	shalt  }
0x59: {  	_ =	shalt  }
0x5a: {  	_ =	shalt  }
0x5b: {  	_ =	shalt  }
0x5c: {  	_ =	shalt  }
0x5d: {  	_ =	shalt  }
0x5e: {  	_ =	shalt  }
0x5f: {  	_ =	shalt  }
0x60: {  	_ =	shalt  }
0x61: {  	_ =	shalt  }
0x62: {  	_ =	shalt  }
0x63: {  	_ =	shalt  }
0x64: {  	_ =	shalt  }
0x65: {  	_ =	shalt  }
0x66: {  	_ =	shalt  }
0x67: {  	_ =	shalt  }
0x68: {  	_ =	shalt  }
0x69: {  	_ =	shalt  }
0x6a: {  	_ =	shalt  }
0x6b: {  	_ =	shalt  }
0x6c: {  	_ =	shalt  }
0x6d: {  	_ =	shalt  }
0x6e: {  	_ =	shalt  }
0x6f: {  	_ =	shalt  }
0x70: {  	_ =	shalt  }
0x71: {  	_ =	shalt  }
0x72: {  	_ =	shalt  }
0x73: {  	_ =	shalt  }
0x74: {  	_ =	shalt  }
0x75: {  	_ =	shalt  }
0x76: {  	_ =	shalt  }
0x77: {  	_ =	shalt  }
0x78: {  	_ =	shalt  }
0x79: {  	_ =	shalt  }
0x7a: {  	_ =	shalt  }
0x7b: {  	_ =	shalt  }
0x7c: {  	_ =	shalt  }
0x7d: {  	_ =	shalt  }
0x7e: {  	_ =	shalt  }
0x7f: {  	_ =	shalt  }
0x80: {  	_ =	shalt  }
0x81: {  	_ =	shalt  }
0x82: {  	_ =	shalt  }
0x83: {  	_ =	shalt  }
0x84: {  	_ =	shalt  }
0x85: {  	_ =	shalt  }
0x86: {  	_ =	shalt  }
0x87: {  	_ =	shalt  }
.Lfunc_end0:
.L_simem_size_0:
called_computation_lowered:
.L_overlay_start_0:
0x88: {  	s2 =	sld [smem:$0x3FD9]  }
0x89: {  	s3 =	sld [smem:$0x3FFE];
	_ =	sdelay $0x1  }
0x8a: {  	s1 =	srdreg.scid  }
0x8b: {  	s0 =	sand.u32 $0x1, s1  }
0x8c: {  	s18 =	sshll.u32 s0, $0xA;
	s2 =	sadd.s32 s3, s2  }
0x8d: {  	s2 =	sadd.s32 s2, s18  }
0x8e: {  	[smem:$0x3FC6] =	sst s2  }
0x8f: {  	_ = 	snop  }
0x90: {  	s2 =	sld [smem:$0x3FC9]  }
0x91: {  	s19 =	sld [smem:$0x3FC8]  }
0x92: {  	s4 =	sld [smem:$0x3FD0];
	(tm) =	ssettm $0x1  }
0x93: {  	s5 =	sld [smem:$0x3FFB];
	_ =	sdelay $0x3  }
0x94: {  	_ =	strace s5  }
0x95: {  	s5 =	sld [smem:$0x3FFC];
	_ =	sdelay $0x3  }
0x96: {  	_ =	strace s5  }
0x97: {  	s5 =	sld [smem:$0x3FFD];
	_ =	sdelay $0x3  }
0x98: {  	_ =	strace s5  }
0x99: {  	_ =	strace $0x8FFFFFFF  }
0x9a: {  	s20 =	sld [smem:$0x3FDB];
	_ =	sdelay $0x1  }
0x9b: {  	s6 =	simm.s32 $_scs_section_size  }
0x9c: {  	s7 =	simm.s32 $_size__tile_overlayer_lowered;
	s8 =	simm.s32 $_tile_overlayer_lowered  }
0x9d: {  	s23 =	simm.s32 $0x1BFF;
	s22 =	sshll.u32 s8, $0x1;
	s5 =	sadd.s32 s6, s20  }
0x9e: {  	s9 =	simm.s32 $0x0;
	s21 =	sshll.u32 s7, $0x1;
	s7 =	sadd.s32 s22, s5  }
0x9f: {  	[timem:s9], [sflag:s23] =	dma.local [hbm:s7], s21  }
0xa0: {  	_ =	swait.ge [sflag:s23], s21  }
0xa1: {  	s6 =	ssub.s32 $0x0, s21;
	[sflag:s23] =	ssyncset.done $0x0  }
0xa2: {  	[sflag:s23] =	ssyncadd.s32 s6;
	_ =	sdelay $0x1  }
0xa3: {  	s24 =	simm.s32 $0x1B8B  }
0xa4: {  	_ =	swait.ge [sflag:s24], $0x1  }
0xa5: {  	[sflag:s24] =	ssyncset.done $0x0  }
0xa6: {  	s25 =	simm.s32 $0x1B8E;
	[sflag:s24] =	ssyncadd.s32 $0xFFFFFFFF  }
0xa7: {  	s26 =	simm.s32 $execute0_lowered;
	[smem:$0x3FD2] =	sst s25  }
0xa8: {  	s6 =	sshll.u32 s26, $0x1;
	_ =	strace $0x80000046;
	[dreg:$0x1] =	wrdreg $0xFFFFFFFF  }
0xa9: {  	s28 =	simm.s32 $_size_execute0_lowered;
	s5 =	sadd.s32 s5, s6;
	[dreg:$0x0] =	wrdreg $0x0  }
0xaa: {  	s6 =	sshll.u32 s28, $0x1;
	[dreg:$0x2] =	wrdreg s5  }
0xab: {  	[dreg:$0x3] =	wrdreg s6  }
0xac: {  	[dreg:$0x4] =	wrdreg $0xC0  }
0xad: {  	_ =	task [dreg:s9], $0x5FFFF  }
0xae: {  	[dreg:$0x1] =	wrdreg $0xFFFFFFFF  }
0xaf: {  	[dreg:$0x0] =	wrdreg $0x60  }
0xb0: {  	[dreg:$0x2] =	wrdreg s2  }
0xb1: {  	[dreg:$0x3] =	wrdreg s19  }
0xb2: {  	[dreg:$0x4] =	wrdreg s4  }
0xb3: {  	[dreg:$0x5] =	wrdreg $0x9  }
0xb4: {  	_ =	task.clear_ibuf [dreg:s9], $0x6FFFF;
	_ =	strace $0x90000046  }
0xb5: {  	s29 =	simm.s32 $0x9;
	_ =	strace $0x8000004E  }
0xb6: {  	_ =	swait.ge [sflag:s29], $0x1  }
0xb7: {  	[sflag:s29] =	ssyncadd.s32 $0xFFFFFFFF  }
0xb8: {  	_ =	strace $0x9000004E  }
0xb9: {  	_ =	sfence  }
0xba: {  	s30 =	sld [smem:$0x0];
	_ =	sdelay $0x2  }
0xbb: {  	s31 =	sshll.u32 s1, $0xD;
	s1 =	sshrl.u32 s1, $0x2  }
0xbc: {  	s3 =	sand.u32 $0x4000, s31;
	s1 =	sadd.s32 s1, s30  }
0xbd: {  	s0 =	sor.u32 s3, s0;
	s1 =	sshll.u32 s1, $0x11  }
0xbe: {  	s0 =	sor.u32 s1, s0  }
0xbf: {  	s0 =	sadd.s32 $0x8F2B, s0  }
0xc0: {  	[sflag:s0] =	ssyncadd.remote.s32 $0x1  }
0xc1: {  	_ =	sfence.sel $0xFFFF  }
0xc2: {  	[dreg:$0x0] =	wrdreg $0xFFFFFFFF;
	(pc) =	sbr.abs _section_cstart, $3  }
0xc3: {  	[dreg:$0x1] =	wrdreg $0xFFFFFFFF  }
0xc4: {  	_ =	task.clear_ibuf [dreg:s9], $0x2FFFF;
	_ =	strace $0x9FFFFFFF  }
0xc5: {  	(tm) =	ssettm $0x7FFFFFFF  }
tec
execute0_lowered:
.L_overlay_start_1:
0x0: {  	(tag) =	ssettag $0x1  }
0x1: {  	s1 =	rddreg [dreg:$0x0]  }
0x2: {  	s2 =	rddreg [dreg:$0x1]  }
0x3: {  	s3 =	rddreg [dreg:$0x2]  }
0x4: {  	s4 =	srdreg.scid;
	s0 =	rddreg [dreg:$0x3]  }
0x5: {  	s5 =	simm.s32 $0x0;
	s11 =	simm.s32 $0x18000;
	s12 =	simm.s32 $0x5  }
0x6: {  	s13 =	simm.s32 $0x0;
	s6 =	sand.u32 $0x1, s4;
	[smem:$0x7FF] =	sst s5  }
.Ltmp0:
0x7: {  	s4 =	stileid.u32;
	s7 =	ssub.s32 $0x2, s6;
	(pc) =	sbr.rel .LBB2_1-.Ltmp0, $4  }
0x8: {  	s6 =	sshll.u32 s6, $0x4;
	s9 =	smul.u32 $0x3000, s4;
	s8 =	sshrl.u32 s7, $0x1  }
0x9: {  	v2 =	vlaneseq.u32;
	_ =	strace $0x80000047;
	s31 =	sor.u32 s4, s6;
	s10 =	ssub.s32 s7, s8  }
0xa: {  	vm0 =	vmmov $0xffff;
	vm1 =	vmmov $0xff;
	v1 =	vshrl.u32 v2, $0x3;
	s6 =	sshll.u32 s31, $0x1;
	s7 =	sadd.s32 s1, s9;
	s8 =	sshll.u32 s31, $0x5  }
0xb: {  	v0 =	vand.u32 $0x7, v2;
	v2 =	vor.u32 $0x8, v2;
	v1 =	vmul.u32 $0x8, v1;
	s9 =	sadd.s32 $0x100, s3;
	s8 =	sadd.s32 s2, s8;
	s10 =	smax.u32 s10, $0x1  }
.LBB2_7:
0xc: {  	s13 =	sadd.s32 $0x1, s13  }
0xd: {  	p0 =	sne.s32 s13, s10  }
.Ltmp1:
0xe: {  	_ = 	snop;
	(pc) =	sbr.rel @!p0 .LBB2_8-.Ltmp1, $1  }
0xf: {  	_ =	sdelay $0x3  }
.LBB2_1:
0x10: {  	_ =	strace $0x80000048  }
.Ltmp2:
0x11: {  	p0 =	por $0x0, $0x0;
	p2 =	por $0x1, $0x1;
	(pc) =	sbr.rel .LBB2_2-.Ltmp2, $4  }
0x12: {  	[tilespmem:s5], [sflag:$0x1] =	stream.linear.gather [hbm4b:s7+s5], $0xC000, $0x200038;
	[tilespmem:$0x18100] =	vst v63  }
0x13: {  	s19 =	simm.s32 $0x0;
	s14 =	simm.s32 $0x0;
	s15 =	simm.s32 $0x1  }
0x14: {  	[tilespmem:s11], [sflag:$0x3] =	stream.linear.gather [hbm4b:s8+s5], $0x80, $0x200038;
	[tilespmem:$0x18100] =	vst v63  }
0x15: {  	s16 =	simm.s32 $0x0;
	s17 =	simm.s32 $0x1;
	_ =	strace $0x90000048  }
.LBB2_3:
0x16: {  	s20 =	sand.u32 $0x1, s15;
	s21 =	sshll.u32 s21, $0x4  }
0x17: {  	_ =	strace $0x8000004A;
	s22 =	sshll.u32 s20, $0x7;
	s21 =	sand.u32 $0x1FFFFFF0, s21  }
0x18: {  	s20 =	sadd.s32 $0x3, s20;
	s22 =	sor.u32 $0x18000, s22;
	s21 =	sadd.s32 s2, s21  }
0x19: {  	[tilespmem:s22], [sflag:s20] =	stream.linear.gather [hbm4b:s21+s5], $0x80, $0x200038;
	[tilespmem:$0x18100] =	vst v63  }
0x1a: {  	s15 =	sadd.s32 $0x1, s15;
	_ =	strace $0x9000004A  }
.LBB2_5:
0x1b: {  	s20 =	sand.u32 $0x1, s16  }
0x1c: {  	_ =	strace $0x8000004B;
	s20 =	sadd.s32 $0x1, s20  }
0x1d: {  	_ =	swait.ge [sflag:s20], $0xC000  }
0x1e: {  	[sflag:s20] =	ssyncset.done $0x0  }
0x1f: {  	[sflag:s20] =	ssyncadd.s32 $0xFFFF4000  }
0x20: {  	_ =	strace $0x9000004B  }
.LBB2_6:
0x21: {  	s20 =	sand.u32 $0x1, s14  }
0x22: {  	_ =	strace $0x8000004C;
	s20 =	sadd.s32 $0x3, s20  }
0x23: {  	_ =	swait.ge [sflag:s20], $0x80  }
0x24: {  	[sflag:s20] =	ssyncset.done $0x0  }
0x25: {  	[sflag:s20] =	ssyncadd.s32 $0xFFFFFF80  }
0x26: {  	s24 =	sshll.u32 s14, $0x7;
	_ =	strace $0x9000004C  }
0x27: {  	s21 =	sand.u32 $0x80, s24;
	_ =	strace $0x8000004D  }
0x28: {  	v3 =	vld [tilespmem:s21+$0x18000];
	_ =	sdelay $0x4  }
0x29: {  	v4 =	vshrl.u32 v3, $0x3  }
0x2a: {  	v4 =	vmul.u32 $0x18, v4  }
0x2b: {  	v3 =	vand.u32 $0x7, v3  }
0x2c: {  	v3 =	vor.u32 v3, v4  }
0x2d: {  	v4 =	vperm.xlane v3, v0;
	_ =	sdelay $0x1  }
0x2e: {  	v4 =	vadd.s32 v1, v4;
	_ =	sdelay $0x1  }
0x2f: {  	s25 =	sand.u32 $0x1, s16;
	v3 =	vperm.xlane v3, v2  }
0x30: {  	p4 =	seq.s32 s25, $0x1;
	s20 =	simm.s32 $0xC000  }
0x31: {  	s20 =	simm.s32 @!p4 $0x0;
	v3 =	vadd.s32 v1, v3  }
0x32: {  	[hbm4b:s3+s5] =	stream.indirect_vreg.scatter [tilespmem:s20], [sflag:$0x5], $0x80, v4, vm0, $0x2000b8;
	[tilespmem:$0x18100] =	vst v63  }
0x33: {  	s22 =	sor.u32 $0x800, s20  }
0x34: {  	[hbm4b:s9+s5] =	stream.indirect_vreg.scatter [tilespmem:s22], [sflag:$0x5], $0x80, v4, vm1, $0x2000b8;
	[tilespmem:$0x18100] =	vst v63  }
0x35: {  	s26 =	sor.u32 $0xC00, s20  }
0x36: {  	[hbm4b:s3+s5] =	stream.indirect_vreg.scatter [tilespmem:s26], [sflag:$0x5], $0x80, v3, vm0, $0x2000b8;
	[tilespmem:$0x18100] =	vst v63  }
0x37: {  	s28 =	sor.u32 $0x1400, s20  }
0x38: {  	[hbm4b:s9+s5] =	stream.indirect_vreg.scatter [tilespmem:s28], [sflag:$0x5], $0x80, v3, vm1, $0x2000b8;
	[tilespmem:$0x18100] =	vst v63  }
0x39: {  	v3 =	vld [tilespmem:s21+$0x18010];
	_ =	sdelay $0x4  }
0x3a: {  	v57 =	vshrl.u32 v3, $0x3  }
0x3b: {  	v4 =	vmul.u32 $0x18, v57  }
0x3c: {  	v3 =	vand.u32 $0x7, v3  }
0x3d: {  	v3 =	vor.u32 v3, v4  }
0x3e: {  	v4 =	vperm.xlane v3, v0;
	_ =	sdelay $0x1  }
0x3f: {  	v4 =	vadd.s32 v1, v4;
	_ =	sdelay $0x1  }
0x40: {  	v3 =	vperm.xlane v3, v2;
	_ =	sdelay $0x1  }
0x41: {  	s29 =	sor.u32 $0x1800, s20;
	v3 =	vadd.s32 v1, v3  }
0x42: {  	[hbm4b:s3+s5] =	stream.indirect_vreg.scatter [tilespmem:s29], [sflag:$0x5], $0x80, v4, vm0, $0x2000b8;
	[tilespmem:$0x18100] =	vst v63  }
0x43: {  	s30 =	sor.u32 $0x2000, s20  }
0x44: {  	[hbm4b:s9+s5] =	stream.indirect_vreg.scatter [tilespmem:s30], [sflag:$0x5], $0x80, v4, vm1, $0x2000b8;
	[tilespmem:$0x18100] =	vst v63  }
0x45: {  	s31 =	sor.u32 $0x2400, s20  }
0x46: {  	[hbm4b:s3+s5] =	stream.indirect_vreg.scatter [tilespmem:s31], [sflag:$0x5], $0x80, v3, vm0, $0x2000b8;
	[tilespmem:$0x18100] =	vst v63  }
0x47: {  	s23 =	sor.u32 $0x2C00, s20  }
0x48: {  	[hbm4b:s9+s5] =	stream.indirect_vreg.scatter [tilespmem:s23], [sflag:$0x5], $0x80, v3, vm1, $0x2000b8;
	[tilespmem:$0x18100] =	vst v63  }
0x49: {  	v3 =	vld [tilespmem:s21+$0x18020];
	_ =	sdelay $0x4  }
0x4a: {  	v58 =	vshrl.u32 v3, $0x3  }
0x4b: {  	v4 =	vmul.u32 $0x18, v58  }
0x4c: {  	v3 =	vand.u32 $0x7, v3  }
0x4d: {  	v3 =	vor.u32 v3, v4  }
0x4e: {  	v4 =	vperm.xlane v3, v0;
	_ =	sdelay $0x1  }
0x4f: {  	v4 =	vadd.s32 v1, v4;
	_ =	sdelay $0x1  }
0x50: {  	v3 =	vperm.xlane v3, v2;
	_ =	sdelay $0x1  }
0x51: {  	s24 =	sor.u32 $0x3000, s20;
	v3 =	vadd.s32 v1, v3  }
0x52: {  	[hbm4b:s3+s5] =	stream.indirect_vreg.scatter [tilespmem:s24], [sflag:$0x5], $0x80, v4, vm0, $0x2000b8;
	[tilespmem:$0x18100] =	vst v63  }
0x53: {  	s25 =	sor.u32 $0x3800, s20  }
0x54: {  	[hbm4b:s9+s5] =	stream.indirect_vreg.scatter [tilespmem:s25], [sflag:$0x5], $0x80, v4, vm1, $0x2000b8;
	[tilespmem:$0x18100] =	vst v63  }
0x55: {  	s26 =	sor.u32 $0x3C00, s20  }
0x56: {  	[hbm4b:s3+s5] =	stream.indirect_vreg.scatter [tilespmem:s26], [sflag:$0x5], $0x80, v3, vm0, $0x2000b8;
	[tilespmem:$0x18100] =	vst v63  }
0x57: {  	s28 =	sadd.s32 $0x4400, s20  }
0x58: {  	[hbm4b:s9+s5] =	stream.indirect_vreg.scatter [tilespmem:s28], [sflag:$0x5], $0x80, v3, vm1, $0x2000b8;
	[tilespmem:$0x18100] =	vst v63  }
0x59: {  	v3 =	vld [tilespmem:s21+$0x18030];
	_ =	sdelay $0x4  }
0x5a: {  	v59 =	vshrl.u32 v3, $0x3  }
0x5b: {  	v4 =	vmul.u32 $0x18, v59  }
0x5c: {  	v3 =	vand.u32 $0x7, v3  }
0x5d: {  	v3 =	vor.u32 v3, v4  }
0x5e: {  	v4 =	vperm.xlane v3, v0;
	_ =	sdelay $0x1  }
0x5f: {  	v4 =	vadd.s32 v1, v4;
	_ =	sdelay $0x1  }
0x60: {  	v3 =	vperm.xlane v3, v2;
	_ =	sdelay $0x1  }
0x61: {  	s29 =	sadd.s32 $0x4800, s20;
	v3 =	vadd.s32 v1, v3  }
0x62: {  	[hbm4b:s3+s5] =	stream.indirect_vreg.scatter [tilespmem:s29], [sflag:$0x5], $0x80, v4, vm0, $0x2000b8;
	[tilespmem:$0x18100] =	vst v63  }
0x63: {  	s30 =	sadd.s32 $0x5000, s20  }
0x64: {  	[hbm4b:s9+s5] =	stream.indirect_vreg.scatter [tilespmem:s30], [sflag:$0x5], $0x80, v4, vm1, $0x2000b8;
	[tilespmem:$0x18100] =	vst v63  }
0x65: {  	s31 =	sadd.s32 $0x5400, s20  }
0x66: {  	[hbm4b:s3+s5] =	stream.indirect_vreg.scatter [tilespmem:s31], [sflag:$0x5], $0x80, v3, vm0, $0x2000b8;
	[tilespmem:$0x18100] =	vst v63  }
0x67: {  	s23 =	sadd.s32 $0x5C00, s20  }
0x68: {  	[hbm4b:s9+s5] =	stream.indirect_vreg.scatter [tilespmem:s23], [sflag:$0x5], $0x80, v3, vm1, $0x2000b8;
	[tilespmem:$0x18100] =	vst v63  }
0x69: {  	v3 =	vld [tilespmem:s21+$0x18040];
	_ =	sdelay $0x4  }
0x6a: {  	v60 =	vshrl.u32 v3, $0x3  }
0x6b: {  	v4 =	vmul.u32 $0x18, v60  }
0x6c: {  	v3 =	vand.u32 $0x7, v3  }
0x6d: {  	v3 =	vor.u32 v3, v4  }
0x6e: {  	v4 =	vperm.xlane v3, v0;
	_ =	sdelay $0x1  }
0x6f: {  	v4 =	vadd.s32 v1, v4;
	_ =	sdelay $0x1  }
0x70: {  	v3 =	vperm.xlane v3, v2;
	_ =	sdelay $0x1  }
0x71: {  	s24 =	sadd.s32 $0x6000, s20;
	v3 =	vadd.s32 v1, v3  }
0x72: {  	[hbm4b:s3+s5] =	stream.indirect_vreg.scatter [tilespmem:s24], [sflag:$0x5], $0x80, v4, vm0, $0x2000b8;
	[tilespmem:$0x18100] =	vst v63  }
0x73: {  	s25 =	sadd.s32 $0x6800, s20  }
0x74: {  	[hbm4b:s9+s5] =	stream.indirect_vreg.scatter [tilespmem:s25], [sflag:$0x5], $0x80, v4, vm1, $0x2000b8;
	[tilespmem:$0x18100] =	vst v63  }
0x75: {  	s26 =	sadd.s32 $0x6C00, s20  }
0x76: {  	[hbm4b:s3+s5] =	stream.indirect_vreg.scatter [tilespmem:s26], [sflag:$0x5], $0x80, v3, vm0, $0x2000b8;
	[tilespmem:$0x18100] =	vst v63  }
0x77: {  	s28 =	sadd.s32 $0x7400, s20  }
0x78: {  	[hbm4b:s9+s5] =	stream.indirect_vreg.scatter [tilespmem:s28], [sflag:$0x5], $0x80, v3, vm1, $0x2000b8;
	[tilespmem:$0x18100] =	vst v63  }
0x79: {  	v3 =	vld [tilespmem:s21+$0x18050];
	_ =	sdelay $0x4  }
0x7a: {  	v61 =	vshrl.u32 v3, $0x3  }
0x7b: {  	v4 =	vmul.u32 $0x18, v61  }
0x7c: {  	v3 =	vand.u32 $0x7, v3  }
0x7d: {  	v3 =	vor.u32 v3, v4  }
0x7e: {  	v4 =	vperm.xlane v3, v0;
	_ =	sdelay $0x1  }
0x7f: {  	v4 =	vadd.s32 v1, v4;
	_ =	sdelay $0x1  }
0x80: {  	v3 =	vperm.xlane v3, v2;
	_ =	sdelay $0x1  }
0x81: {  	s29 =	sadd.s32 $0x7800, s20;
	v3 =	vadd.s32 v1, v3  }
0x82: {  	[hbm4b:s3+s5] =	stream.indirect_vreg.scatter [tilespmem:s29], [sflag:$0x5], $0x80, v4, vm0, $0x2000b8;
	[tilespmem:$0x18100] =	vst v63  }
0x83: {  	s30 =	sadd.s32 $0x8000, s20  }
0x84: {  	[hbm4b:s9+s5] =	stream.indirect_vreg.scatter [tilespmem:s30], [sflag:$0x5], $0x80, v4, vm1, $0x2000b8;
	[tilespmem:$0x18100] =	vst v63  }
0x85: {  	s31 =	sadd.s32 $0x8400, s20  }
0x86: {  	[hbm4b:s3+s5] =	stream.indirect_vreg.scatter [tilespmem:s31], [sflag:$0x5], $0x80, v3, vm0, $0x2000b8;
	[tilespmem:$0x18100] =	vst v63  }
0x87: {  	s23 =	sadd.s32 $0x8C00, s20  }
0x88: {  	[hbm4b:s9+s5] =	stream.indirect_vreg.scatter [tilespmem:s23], [sflag:$0x5], $0x80, v3, vm1, $0x2000b8;
	[tilespmem:$0x18100] =	vst v63  }
0x89: {  	v3 =	vld [tilespmem:s21+$0x18060];
	_ =	sdelay $0x4  }
0x8a: {  	v62 =	vshrl.u32 v3, $0x3  }
0x8b: {  	v4 =	vmul.u32 $0x18, v62  }
0x8c: {  	v3 =	vand.u32 $0x7, v3  }
0x8d: {  	v3 =	vor.u32 v3, v4  }
0x8e: {  	v4 =	vperm.xlane v3, v0;
	_ =	sdelay $0x1  }
0x8f: {  	v4 =	vadd.s32 v1, v4;
	_ =	sdelay $0x1  }
0x90: {  	v3 =	vperm.xlane v3, v2;
	_ =	sdelay $0x1  }
0x91: {  	s24 =	sadd.s32 $0x9000, s20;
	v3 =	vadd.s32 v1, v3  }
0x92: {  	[hbm4b:s3+s5] =	stream.indirect_vreg.scatter [tilespmem:s24], [sflag:$0x5], $0x80, v4, vm0, $0x2000b8;
	[tilespmem:$0x18100] =	vst v63  }
0x93: {  	s25 =	sadd.s32 $0x9800, s20  }
0x94: {  	[hbm4b:s9+s5] =	stream.indirect_vreg.scatter [tilespmem:s25], [sflag:$0x5], $0x80, v4, vm1, $0x2000b8;
	[tilespmem:$0x18100] =	vst v63  }
0x95: {  	s26 =	sadd.s32 $0x9C00, s20  }
0x96: {  	[hbm4b:s3+s5] =	stream.indirect_vreg.scatter [tilespmem:s26], [sflag:$0x5], $0x80, v3, vm0, $0x2000b8;
	[tilespmem:$0x18100] =	vst v63  }
0x97: {  	s28 =	sadd.s32 $0xA400, s20  }
0x98: {  	[hbm4b:s9+s5] =	stream.indirect_vreg.scatter [tilespmem:s28], [sflag:$0x5], $0x80, v3, vm1, $0x2000b8;
	[tilespmem:$0x18100] =	vst v63  }
0x99: {  	v3 =	vld [tilespmem:s21+$0x18070];
	_ =	sdelay $0x4  }
0x9a: {  	v63 =	vshrl.u32 v3, $0x3  }
0x9b: {  	v4 =	vmul.u32 $0x18, v63  }
0x9c: {  	v3 =	vand.u32 $0x7, v3  }
0x9d: {  	v3 =	vor.u32 v3, v4  }
0x9e: {  	v4 =	vperm.xlane v3, v0;
	_ =	sdelay $0x1  }
0x9f: {  	v4 =	vadd.s32 v1, v4;
	_ =	sdelay $0x1  }
0xa0: {  	v3 =	vperm.xlane v3, v2;
	_ =	sdelay $0x1  }
0xa1: {  	s29 =	sadd.s32 $0xA800, s20;
	v3 =	vadd.s32 v1, v3  }
0xa2: {  	[hbm4b:s3+s5] =	stream.indirect_vreg.scatter [tilespmem:s29], [sflag:$0x5], $0x80, v4, vm0, $0x2000b8;
	[tilespmem:$0x18100] =	vst v63  }
0xa3: {  	p6 =	sne.s32 s19, s18;
	s30 =	sadd.s32 $0xB000, s20  }
0xa4: {  	[hbm4b:s9+s5] =	stream.indirect_vreg.scatter [tilespmem:s30], [sflag:$0x5], $0x80, v4, vm1, $0x2000b8;
	[tilespmem:$0x18100] =	vst v63  }
0xa5: {  	p2 =	por p0, p2;
	s19 =	simm.s32 $0x1;
	s31 =	sadd.s32 $0xB400, s20  }
0xa6: {  	[hbm4b:s3+s5] =	stream.indirect_vreg.scatter [tilespmem:s31], [sflag:$0x5], $0x80, v3, vm0, $0x2000b8;
	[tilespmem:$0x18100] =	vst v63  }
0xa7: {  	s19 =	simm.s32 @!p2 $0x0;
	p0 =	por p0, p6;
	s20 =	sadd.s32 $0xBC00, s20  }
0xa8: {  	[hbm4b:s9+s5] =	stream.indirect_vreg.scatter [tilespmem:s20], [sflag:$0x5], $0x80, v3, vm1, $0x2000b8;
	[tilespmem:$0x18100] =	vst v63  }
.Ltmp3:
0xa9: {  	p2 =	por $0x0, $0x0;
	s16 =	sadd.s32 s19, s16;
	(pc) =	sbr.rel @!p1 .LBB2_7-.Ltmp3, $4  }
0xaa: {  	s19 =	smov.u32 s18;
	s21 =	simm.s32 $0x1;
	_ =	swait.ge [sflag:s12], $0xC000  }
0xab: {  	s21 =	simm.s32 @!p3 $0x0;
	s20 =	simm.s32 $0x1;
	[sflag:s12] =	ssyncset.done $0x0  }
0xac: {  	s17 =	sadd.s32 s21, s17;
	s20 =	simm.s32 @!p0 $0x0;
	[sflag:s12] =	ssyncadd.s32 $0xFFFF4000  }
0xad: {  	p0 =	por $0x1, $0x1;
	s14 =	sadd.s32 s20, s14;
	_ =	strace $0x9000004D  }
.LBB2_2:
0xae: {  	s18 =	sadd.s32 $0x1, s19  }
0xaf: {  	p1 =	seq.s32 s18, $0x2  }
0xb0: {  	s18 =	simm.s32 @p1 $0x0  }
0xb1: {  	s20 =	sadd.s32 s6, s19;
	s21 =	sadd.s32 s6, s18  }
0xb2: {  	s20 =	sand.u32 $0x1F, s20;
	s22 =	sand.u32 $0x1F, s21  }
0xb3: {  	p1 =	por p2, p2;
	p2 =	sne.s32 s20, s22  }
0xb4: {  	p3 =	por !p1, !p2  }
0xb5: {  	p5 =	seq.s32 s19, s18;
	p3 =	por !p3, !p3  }
0xb6: {  	p4 =	por !p1, !p1;
	s23 =	sand.u32 @p3 $0x1, s17;
	s22 =	smul.u32 @p3 $0x1800, s22  }
0xb7: {  	p5 =	por p4, p5;
	s24 =	smul.u32 @p3 $0x30000, s23  }
.Ltmp4:
0xb8: {  	_ = 	snop;
	(pc) =	sbr.rel @!p5 .LBB2_3-.Ltmp4, $4  }
0xb9: {  	_ =	strace @p3 $0x80000049;
	s25 =	simm.s32 @p3 $0x0  }
0xba: {  	s23 =	sadd.s32 @p3 $0x1, s23;
	s22 =	sadd.s32 @p3 s1, s22;
	s24 =	sshrl.u32 @p3 s24, $0x2  }
0xbb: {  	[tilespmem:s24], [sflag:s23] =	stream.linear.gather @p3 [hbm4b:s22+s25], $0xC000, $0x200038;
	[tilespmem:$0x18100] =	vst v63  }
0xbc: {  	_ =	strace @p3 $0x90000049  }
0xbd: {  	s21 =	sadd.s32 $0x1F, s19;
	p5 =	seq.s32 s19, $0x0  }
0xbe: {  	s21 =	simm.s32 @p5 $0x1  }
0xbf: {  	s21 =	sadd.s32 s6, s21  }
0xc0: {  	s21 =	sand.u32 $0x1F, s21  }
0xc1: {  	p6 =	seq.s32 s20, s21  }
0xc2: {  	p4 =	por !p4, !p6  }
0xc3: {  	p4 =	por !p4, !p4  }
.Ltmp5:
0xc4: {  	_ = 	snop;
	(pc) =	sbr.rel @p4 .LBB2_6-.Ltmp5, $4  }
.Ltmp6:
0xc5: {  	_ = 	snop;
	(pc) =	sbr.rel @!p4 .LBB2_5-.Ltmp6, $4  }
0xc6: {  	_ = 	snop  }
0xc7: {  	_ = 	snop  }
0xc8: {  	_ = 	snop  }
0xc9: {  	_ = 	snop  }
.LBB2_8:
0xca: {  	_ =	sfence.sel $0x180000  }
0xcb: {  	[bflag:$0x0] =	sbarrier.arrive $0xFFFF  }
0xcc: {  	p0 =	sne.s32 s4, $0x0;
	_ =	strace $0x90000047  }
0xcd: {  	s0 =	sadd.s32 @!p0 $0x100000, s0;
	[bflag:$0x2] =	sbarrier.arrive $0xFFFF  }
0xce: {  	[sflag:s0] =	ssyncadd.tile.s32 @!p0 $0x1;
	_ =	shalt  }
.Lfunc_end2:
_tile_overlayer_lowered:
.L_overlay_start_2:
0xcf: {  	(tag) =	ssettag $0x2  }
0xd0: {  	s0 =	rddreg [dreg:$0x0];
	s2 =	stileid.u32  }
0xd1: {  	s1 =	rddreg [dreg:$0x1];
	p0 =	sne.s32 s2, $0x0  }
0xd2: {  	s3 =	rddreg [dreg:$0x2];
	[bflag:$0x3] =	sbarrier.arrive $0xFFFF;
	s2 =	simm.s32 @!p0 $0x1C01  }
0xd3: {  	[timem:s3], [sflag:s2] =	dma.local @!p0 [hbm:s0], s1  }
0xd4: {  	s0 =	simm.s32 @!p0 $0x1  }
0xd5: {  	_ =	swait.ge @!p0 [sflag:s0], s1  }
0xd6: {  	s1 =	ssub.s32 @!p0 $0x0, s1;
	[sflag:s0] =	ssyncset.done @!p0 $0x0  }
0xd7: {  	[sflag:s0] =	ssyncadd.s32 @!p0 s1  }
0xd8: {  	[bflag:$0x3] =	sbarrier.arrive $0xFFFF  }
0xd9: {  	_ =	shalt  }

</sc_bundles>
